<compile_context>
chip_gen: v7x
topology: tpu7x:2x2x1
jax: 0.10.2.dev20260603
libtpu: 0.0.44.dev20260713+nightly
codegen_flags: <defaults>
</compile_context>

<pallas_src>
import functools

import jax
import jax.numpy as jnp
from jax import lax
from jax.experimental import pallas as pl
from jax.experimental.pallas import tpu as pltpu
from jax.experimental.pallas import tpu_sc as plsc

B = 16384
EMB = 16
L = 16
NC = 2
NS = 16
I_PER = B // (NC * NS)
CH = 128

N_USR = 1000001
N_MOV = 100001
NSEG = 6272
N_MOV_PAD = NS * NSEG
BLK = 131072
GRID = -(-N_USR // BLK)
N_PAD = GRID * BLK


def _sc_scatter(yv, fcw, s_out,
                yidx, w_buf, zero_buf, acc):
    c = lax.axis_index("c")
    s = lax.axis_index("s")
    wid = s * NC + c
    jbase = wid * I_PER

    zero = jnp.zeros((L,), jnp.float32)

    def zbody(b, carry):
        for k in range(8):
            zero_buf[pl.ds((b * 8 + k) * L, L)] = zero
        return carry

    lax.fori_loop(0, NSEG // (8 * L), zbody, 0)
    pltpu.sync_copy(zero_buf, acc.at[pl.ds(s * NSEG, NSEG)])
    plsc.subcore_barrier()

    for i in range(I_PER // CH):
        pltpu.sync_copy(yv.at[pl.ds(jbase + i * CH, CH)], yidx.at[i])
        pltpu.sync_copy(fcw.at[pl.ds(jbase + i * CH, CH)], w_buf.at[i])
        pltpu.sync_copy(w_buf.at[i], acc.at[yidx.at[i]], add=True)
    plsc.subcore_barrier()
    pltpu.sync_copy(acc.at[pl.ds(s * NSEG, NSEG)],
                    s_out.at[pl.ds(c * N_MOV_PAD + s * NSEG, NSEG)])


def _tc_user(ue_ref, ub_ref, s_ref, me_ref, out_ref, vw_out, vw_scr):
    @pl.when(pl.program_id(0) == 0)
    def _():
        s_sum = s_ref[0:N_MOV_PAD] + s_ref[N_MOV_PAD:2 * N_MOV_PAD]
        w_tot = jnp.sum(s_sum)
        v = jnp.sum(me_ref[...] * s_sum[0:N_MOV][None, :], axis=1)
        vw_scr[0, 0:EMB] = v
        vw_scr[0, EMB:2 * EMB] = jnp.zeros((EMB,), jnp.float32) + w_tot
        vw_scr[0, 2 * EMB:128] = jnp.zeros((128 - 2 * EMB,), jnp.float32)

    u = jax.lax.dot_general(vw_scr[0:1, 0:EMB], ue_ref[...],
                            (((1,), (0,)), ((), ())))
    out_ref[...] = u[0] + vw_scr[0, EMB] * ub_ref[0, :]
    vw_out[...] = vw_scr[...]


def _sc_out(u_hbm, mb_hbm, vw_hbm, xv, yv, fcb,
            out_hbm,
            xidx, yidx, u_buf, mb_buf, wv_buf, fcb_buf, out_buf, sem):
    c = lax.axis_index("c")
    s = lax.axis_index("s")
    wid = s * NC + c
    ibase = wid * I_PER

    copies = []
    for i in range(I_PER // CH):
        pltpu.sync_copy(xv.at[pl.ds(ibase + i * CH, CH)], xidx.at[i])
        copies.append(pltpu.async_copy(
            u_hbm.at[xidx.at[i]], u_buf.at[pl.ds(i * CH, CH)], sem))
        pltpu.sync_copy(yv.at[pl.ds(ibase + i * CH, CH)], yidx.at[i])
        copies.append(pltpu.async_copy(
            mb_hbm.at[yidx.at[i]], mb_buf.at[pl.ds(i * CH, CH)], sem))
    pltpu.sync_copy(vw_hbm.at[0], wv_buf)
    pltpu.sync_copy(fcb, fcb_buf)
    for cp in copies:
        cp.wait()
    w_splat = wv_buf[pl.ds(EMB, L)]
    fcb_splat = fcb_buf[...]

    def body(b, carry):
        z = (u_buf[pl.ds(b * L, L)]
             + w_splat * mb_buf[pl.ds(b * L, L)] + fcb_splat)
        out_buf[pl.ds(b * L, L)] = 1.0 / (1.0 + jnp.exp(-z))
        return carry

    lax.fori_loop(0, I_PER // L, body, 0)
    pltpu.sync_copy(out_buf, out_hbm.at[pl.ds(ibase, I_PER)])


@jax.jit
def kernel(x, y, usr_embd, usr_bias, mov_embd, mov_bias, fc_W, fc_b):
    xi = x.astype(jnp.int32)
    yi = y.astype(jnp.int32)
    mesh = plsc.VectorSubcoreMesh(core_axis_name="c", subcore_axis_name="s")
    sc_params = pltpu.CompilerParams(
        needs_layout_passes=False, use_tc_tiling_on_sc=False)

    scatter = functools.partial(
        pl.kernel,
        out_type=jax.ShapeDtypeStruct((NC * N_MOV_PAD,), jnp.float32),
        mesh=mesh,
        compiler_params=sc_params,
        scratch_types=[
            pltpu.VMEM((I_PER // CH, CH), jnp.int32),
            pltpu.VMEM((I_PER // CH, CH), jnp.float32),
            pltpu.VMEM((NSEG,), jnp.float32),
            pltpu.VMEM_SHARED((N_MOV_PAD,), jnp.float32),
        ],
    )(_sc_scatter)
    s_flat = scatter(yi, fc_W.reshape(-1))

    u_all, vw = pl.pallas_call(
        _tc_user,
        grid=(GRID,),
        in_specs=[
            pl.BlockSpec((EMB, BLK), lambda i: (0, i)),
            pl.BlockSpec((1, BLK), lambda i: (0, i)),
            pl.BlockSpec((NC * N_MOV_PAD,), lambda i: (0,)),
            pl.BlockSpec((EMB, N_MOV), lambda i: (0, 0)),
        ],
        out_specs=[
            pl.BlockSpec((BLK,), lambda i: (i,)),
            pl.BlockSpec((1, 128), lambda i: (0, 0)),
        ],
        out_shape=[
            jax.ShapeDtypeStruct((N_PAD,), jnp.float32),
            jax.ShapeDtypeStruct((1, 128), jnp.float32),
        ],
        scratch_shapes=[pltpu.VMEM((1, 128), jnp.float32)],
    )(usr_embd.T, usr_bias.T, s_flat, mov_embd.T)

    final = functools.partial(
        pl.kernel,
        out_type=jax.ShapeDtypeStruct((B,), jnp.float32),
        mesh=mesh,
        compiler_params=sc_params,
        scratch_types=[
            pltpu.VMEM((I_PER // CH, CH), jnp.int32),
            pltpu.VMEM((I_PER // CH, CH), jnp.int32),
            pltpu.VMEM((I_PER,), jnp.float32),
            pltpu.VMEM((I_PER,), jnp.float32),
            pltpu.VMEM((128,), jnp.float32),
            pltpu.VMEM((L,), jnp.float32),
            pltpu.VMEM((I_PER,), jnp.float32),
            pltpu.SemaphoreType.DMA,
        ],
    )(_sc_out)
    out = final(u_all, mov_bias.reshape(-1), vw, xi, yi,
                jnp.broadcast_to(fc_b, (L,)))
    return out.reshape(B, 1)

# --- scband reference (transcript-rebuilt; emitter-appended) ---
"""Pipeline reference for scband-recommendation-engine-1245540516012 (READ-ONLY COPY).

The authoritative reference and input builder live on the scoring server;
editing this copy changes nothing except your own understanding.
"""

import jax, jax.numpy as jnp
import numpy as np

B = 16384
EMB = 16
N_USR = 1000000 + 1
N_MOV = 100000 + 1

def setup_inputs(seed: int = 0) -> dict:
    key = jax.random.key(seed)
    ks = jax.random.split(key, 8)
    x = jax.random.randint(ks[0], (B,), 0, N_USR, dtype=jnp.int64) if jax.config.jax_enable_x64 else jax.random.randint(ks[0], (B,), 0, N_USR).astype(jnp.int32)
    y = jax.random.randint(ks[1], (B,), 0, N_MOV).astype(x.dtype)
    usr_embd = jax.random.normal(ks[2], (N_USR, EMB), dtype=jnp.float32) * 0.05
    usr_bias = jax.random.normal(ks[3], (N_USR, 1), dtype=jnp.float32) * 0.05
    mov_embd = jax.random.normal(ks[4], (N_MOV, EMB), dtype=jnp.float32) * 0.05
    mov_bias = jax.random.normal(ks[5], (N_MOV, 1), dtype=jnp.float32) * 0.05
    fc_W = jax.random.normal(ks[6], (B, 1), dtype=jnp.float32) * (1.0 / np.sqrt(B))
    fc_b = jax.random.normal(ks[7], (1,), dtype=jnp.float32) * 0.01
    return {"x": x, "y": y, "usr_embd": usr_embd, "usr_bias": usr_bias, "mov_embd": mov_embd, "mov_bias": mov_bias, "fc_W": fc_W, "fc_b": fc_b}

def reference(x, y, usr_embd, usr_bias, mov_embd, mov_bias, fc_W, fc_b):
    ue = jnp.take(usr_embd, x, axis=0)            # [B, EMB] gather
    me = jnp.take(mov_embd, y, axis=0)            # [B, EMB] gather
    ub = jnp.take(usr_bias, x, axis=0)            # [B, 1]
    mb = jnp.take(mov_bias, y, axis=0)            # [B, 1]
    prod = ue @ me.T                              # torch.inner for 2D -> [B, B]
    s = prod + ub + mb                            # broadcast [B,1] over [B,B]
    flat = s.reshape(s.shape[0], -1)              # [B, B]
    out = jax.nn.sigmoid(flat @ fc_W + fc_b)      # [B, 1]
    return out

if __name__ == "__main__":
    import jax
    _d = setup_inputs()
    print(jax.jit(kernel)(*tuple(_d.values())))

</pallas_src>

<mosaic_0001>
#map = affine_map<(d0, d1) -> (0)>
#map1 = affine_map<(d0, d1) -> (0, 0)>
module attributes {stable_mosaic.version = 14 : i64} {
  func.func @_sc_out(%arg0: i32, %arg1: i32, %arg2: memref<1048576xf32, #tpu.memory_space<hbm>>, %arg3: memref<100001xf32, #tpu.memory_space<hbm>>, %arg4: memref<1x128xf32, #tpu.memory_space<hbm>>, %arg5: memref<16384xi32, #tpu.memory_space<hbm>>, %arg6: memref<16384xi32, #tpu.memory_space<hbm>>, %arg7: memref<16xf32, #tpu.memory_space<hbm>>, %arg8: memref<16384xf32, #tpu.memory_space<hbm>>, %arg9: memref<4x128xi32, #tpu.memory_space<vmem>>, %arg10: memref<4x128xi32, #tpu.memory_space<vmem>>, %arg11: memref<512xf32, #tpu.memory_space<vmem>>, %arg12: memref<512xf32, #tpu.memory_space<vmem>>, %arg13: memref<128xf32, #tpu.memory_space<vmem>>, %arg14: memref<16xf32, #tpu.memory_space<vmem>>, %arg15: memref<512xf32, #tpu.memory_space<vmem>>, %arg16: memref<!tpu.dma_semaphore, #tpu.memory_space<semaphore_mem>>) attributes {dimension_semantics = [#tpu.dimension_semantics<core_parallel>, #tpu.dimension_semantics<subcore_parallel>], iteration_bounds = array<i64: 2, 16>, scalar_prefetch = 0 : i64, scratch_operands = 8 : i64, tpu.core_type = #tpu.core_type<sc_vector_subcore>, window_params = [{transform_indices = #map}, {transform_indices = #map}, {transform_indices = #map1}, {transform_indices = #map}, {transform_indices = #map}, {transform_indices = #map}, {transform_indices = #map}]} {
    %mul3A = arith.constant 2 : i32
    %mul3A_0 = arith.muli %arg1, %mul3A : i32
    %add3A = arith.addi %mul3A_0, %arg0 : i32
    %mul3A_1 = arith.constant 512 : i32
    %mul3A_2 = arith.muli %add3A, %mul3A_1 : i32
    %add3A_3 = arith.constant 0 : i32
    %add3A_4 = arith.addi %mul3A_2, %add3A_3 : i32
    %run_scoped3A = arith.constant 0 : i32
    "tpu.region"() ({
      %run_scoped3A_161 = tpu.sem_alloc : memref<!tpu.dma_semaphore, #tpu.memory_space<semaphore_mem>>
      %dma_start3A_162 = arith.constant 0 : i32
      %dma_start3A_163 = tpu.memref_slice %arg9[%run_scoped3A, %dma_start3A_162] : memref<4x128xi32, #tpu.memory_space<vmem>> -> memref<1x128xi32, #tpu.memory_space<vmem>>
      %dma_start3A_164 = tpu.memref_squeeze %dma_start3A_163 : memref<1x128xi32, #tpu.memory_space<vmem>> -> memref<128xi32, #tpu.memory_space<vmem>>
      %dma_start3A_165 = tpu.memref_slice %arg5[%add3A_4] : memref<16384xi32, #tpu.memory_space<hbm>> -> memref<128xi32, #tpu.memory_space<hbm>>
      %dma_start3A_166 = arith.constant 0 : i32
      %dma_start3A_167 = tpu.memref_slice %arg9[%run_scoped3A, %dma_start3A_166] : memref<4x128xi32, #tpu.memory_space<vmem>> -> memref<1x128xi32, #tpu.memory_space<vmem>>
      %dma_start3A_168 = tpu.memref_squeeze %dma_start3A_167 : memref<1x128xi32, #tpu.memory_space<vmem>> -> memref<128xi32, #tpu.memory_space<vmem>>
      %dma_start3A_169 = tpu.memref_slice %arg5[%add3A_4] : memref<16384xi32, #tpu.memory_space<hbm>> -> memref<128xi32, #tpu.memory_space<hbm>>
      tpu.enqueue_dma source(%dma_start3A_169 : memref<128xi32, #tpu.memory_space<hbm>>) target(%dma_start3A_168 : memref<128xi32, #tpu.memory_space<vmem>>) target_semaphore(%run_scoped3A_161 : memref<!tpu.dma_semaphore, #tpu.memory_space<semaphore_mem>>)
      %dma_wait3A_170 = arith.constant 0 : i32
      %dma_wait3A_171 = tpu.memref_slice %arg9[%run_scoped3A, %dma_wait3A_170] : memref<4x128xi32, #tpu.memory_space<vmem>> -> memref<1x128xi32, #tpu.memory_space<vmem>>
      %dma_wait3A_172 = tpu.memref_squeeze %dma_wait3A_171 : memref<1x128xi32, #tpu.memory_space<vmem>> -> memref<128xi32, #tpu.memory_space<vmem>>
      %dma_wait3A_173 = tpu.memref_slice %arg5[%add3A_4] : memref<16384xi32, #tpu.memory_space<hbm>> -> memref<128xi32, #tpu.memory_space<hbm>>
      %dma_wait3A_174 = arith.constant 0 : i32
      %dma_wait3A_175 = tpu.memref_slice %arg9[%run_scoped3A, %dma_wait3A_174] : memref<4x128xi32, #tpu.memory_space<vmem>> -> memref<1x128xi32, #tpu.memory_space<vmem>>
      %dma_wait3A_176 = tpu.memref_squeeze %dma_wait3A_175 : memref<1x128xi32, #tpu.memory_space<vmem>> -> memref<128xi32, #tpu.memory_space<vmem>>
      %dma_wait3A_177 = tpu.memref_slice %arg5[%add3A_4] : memref<16384xi32, #tpu.memory_space<hbm>> -> memref<128xi32, #tpu.memory_space<hbm>>
      tpu.wait_dma2 semaphore(%run_scoped3A_161 : memref<!tpu.dma_semaphore, #tpu.memory_space<semaphore_mem>>) src(%dma_wait3A_177 : memref<128xi32, #tpu.memory_space<hbm>>) dst(%dma_wait3A_176 : memref<128xi32, #tpu.memory_space<vmem>>)
      tpu.yield
    }) : () -> ()
    %dma_start3A = arith.constant 0 : i32
    %dma_start3A_5 = arith.constant 0 : i32
    %dma_start3A_6 = tpu.memref_slice %arg11[%dma_start3A_5] : memref<512xf32, #tpu.memory_space<vmem>> -> memref<128xf32, #tpu.memory_space<vmem>>
    %dma_start3A_7 = arith.constant 0 : i32
    %dma_start3A_8 = tpu.memref_slice %arg9[%dma_start3A, %dma_start3A_7] : memref<4x128xi32, #tpu.memory_space<vmem>> -> memref<1x128xi32, #tpu.memory_space<vmem>>
    %dma_start3A_9 = tpu.memref_squeeze %dma_start3A_8 : memref<1x128xi32, #tpu.memory_space<vmem>> -> memref<128xi32, #tpu.memory_space<vmem>>
    %dma_start3A_10 = arith.constant 0 : i32
    %dma_start3A_11 = tpu.memref_slice %arg2[%dma_start3A_10] : memref<1048576xf32, #tpu.memory_space<hbm>> -> memref<1048576xf32, #tpu.memory_space<hbm>>
    tpu.enqueue_indirect_dma source(%dma_start3A_11 : memref<1048576xf32, #tpu.memory_space<hbm>>) target(%dma_start3A_6 : memref<128xf32, #tpu.memory_space<vmem>>) offsets(%dma_start3A_9 : memref<128xi32, #tpu.memory_space<vmem>>) semaphore(%arg16 : memref<!tpu.dma_semaphore, #tpu.memory_space<semaphore_mem>>)
    %add3A_12 = arith.constant 0 : i32
    %add3A_13 = arith.addi %mul3A_2, %add3A_12 : i32
    %run_scoped3A_14 = arith.constant 0 : i32
    "tpu.region"() ({
      %run_scoped3A_161 = tpu.sem_alloc : memref<!tpu.dma_semaphore, #tpu.memory_space<semaphore_mem>>
      %dma_start3A_162 = arith.constant 0 : i32
      %dma_start3A_163 = tpu.memref_slice %arg10[%run_scoped3A_14, %dma_start3A_162] : memref<4x128xi32, #tpu.memory_space<vmem>> -> memref<1x128xi32, #tpu.memory_space<vmem>>
      %dma_start3A_164 = tpu.memref_squeeze %dma_start3A_163 : memref<1x128xi32, #tpu.memory_space<vmem>> -> memref<128xi32, #tpu.memory_space<vmem>>
      %dma_start3A_165 = tpu.memref_slice %arg6[%add3A_13] : memref<16384xi32, #tpu.memory_space<hbm>> -> memref<128xi32, #tpu.memory_space<hbm>>
      %dma_start3A_166 = arith.constant 0 : i32
      %dma_start3A_167 = tpu.memref_slice %arg10[%run_scoped3A_14, %dma_start3A_166] : memref<4x128xi32, #tpu.memory_space<vmem>> -> memref<1x128xi32, #tpu.memory_space<vmem>>
      %dma_start3A_168 = tpu.memref_squeeze %dma_start3A_167 : memref<1x128xi32, #tpu.memory_space<vmem>> -> memref<128xi32, #tpu.memory_space<vmem>>
      %dma_start3A_169 = tpu.memref_slice %arg6[%add3A_13] : memref<16384xi32, #tpu.memory_space<hbm>> -> memref<128xi32, #tpu.memory_space<hbm>>
      tpu.enqueue_dma source(%dma_start3A_169 : memref<128xi32, #tpu.memory_space<hbm>>) target(%dma_start3A_168 : memref<128xi32, #tpu.memory_space<vmem>>) target_semaphore(%run_scoped3A_161 : memref<!tpu.dma_semaphore, #tpu.memory_space<semaphore_mem>>)
      %dma_wait3A_170 = arith.constant 0 : i32
      %dma_wait3A_171 = tpu.memref_slice %arg10[%run_scoped3A_14, %dma_wait3A_170] : memref<4x128xi32, #tpu.memory_space<vmem>> -> memref<1x128xi32, #tpu.memory_space<vmem>>
      %dma_wait3A_172 = tpu.memref_squeeze %dma_wait3A_171 : memref<1x128xi32, #tpu.memory_space<vmem>> -> memref<128xi32, #tpu.memory_space<vmem>>
      %dma_wait3A_173 = tpu.memref_slice %arg6[%add3A_13] : memref<16384xi32, #tpu.memory_space<hbm>> -> memref<128xi32, #tpu.memory_space<hbm>>
      %dma_wait3A_174 = arith.constant 0 : i32
      %dma_wait3A_175 = tpu.memref_slice %arg10[%run_scoped3A_14, %dma_wait3A_174] : memref<4x128xi32, #tpu.memory_space<vmem>> -> memref<1x128xi32, #tpu.memory_space<vmem>>
      %dma_wait3A_176 = tpu.memref_squeeze %dma_wait3A_175 : memref<1x128xi32, #tpu.memory_space<vmem>> -> memref<128xi32, #tpu.memory_space<vmem>>
      %dma_wait3A_177 = tpu.memref_slice %arg6[%add3A_13] : memref<16384xi32, #tpu.memory_space<hbm>> -> memref<128xi32, #tpu.memory_space<hbm>>
      tpu.wait_dma2 semaphore(%run_scoped3A_161 : memref<!tpu.dma_semaphore, #tpu.memory_space<semaphore_mem>>) src(%dma_wait3A_177 : memref<128xi32, #tpu.memory_space<hbm>>) dst(%dma_wait3A_176 : memref<128xi32, #tpu.memory_space<vmem>>)
      tpu.yield
    }) : () -> ()
    %dma_start3A_15 = arith.constant 0 : i32
    %dma_start3A_16 = arith.constant 0 : i32
    %dma_start3A_17 = tpu.memref_slice %arg12[%dma_start3A_16] : memref<512xf32, #tpu.memory_space<vmem>> -> memref<128xf32, #tpu.memory_space<vmem>>
    %dma_start3A_18 = arith.constant 0 : i32
    %dma_start3A_19 = tpu.memref_slice %arg10[%dma_start3A_15, %dma_start3A_18] : memref<4x128xi32, #tpu.memory_space<vmem>> -> memref<1x128xi32, #tpu.memory_space<vmem>>
    %dma_start3A_20 = tpu.memref_squeeze %dma_start3A_19 : memref<1x128xi32, #tpu.memory_space<vmem>> -> memref<128xi32, #tpu.memory_space<vmem>>
    %dma_start3A_21 = arith.constant 0 : i32
    %dma_start3A_22 = tpu.memref_slice %arg3[%dma_start3A_21] : memref<100001xf32, #tpu.memory_space<hbm>> -> memref<100001xf32, #tpu.memory_space<hbm>>
    tpu.enqueue_indirect_dma source(%dma_start3A_22 : memref<100001xf32, #tpu.memory_space<hbm>>) target(%dma_start3A_17 : memref<128xf32, #tpu.memory_space<vmem>>) offsets(%dma_start3A_20 : memref<128xi32, #tpu.memory_space<vmem>>) semaphore(%arg16 : memref<!tpu.dma_semaphore, #tpu.memory_space<semaphore_mem>>)
    %add3A_23 = arith.constant 128 : i32
    %add3A_24 = arith.addi %mul3A_2, %add3A_23 : i32
    %run_scoped3A_25 = arith.constant 1 : i32
    "tpu.region"() ({
      %run_scoped3A_161 = tpu.sem_alloc : memref<!tpu.dma_semaphore, #tpu.memory_space<semaphore_mem>>
      %dma_start3A_162 = arith.constant 0 : i32
      %dma_start3A_163 = tpu.memref_slice %arg9[%run_scoped3A_25, %dma_start3A_162] : memref<4x128xi32, #tpu.memory_space<vmem>> -> memref<1x128xi32, #tpu.memory_space<vmem>>
      %dma_start3A_164 = tpu.memref_squeeze %dma_start3A_163 : memref<1x128xi32, #tpu.memory_space<vmem>> -> memref<128xi32, #tpu.memory_space<vmem>>
      %dma_start3A_165 = tpu.memref_slice %arg5[%add3A_24] : memref<16384xi32, #tpu.memory_space<hbm>> -> memref<128xi32, #tpu.memory_space<hbm>>
      %dma_start3A_166 = arith.constant 0 : i32
      %dma_start3A_167 = tpu.memref_slice %arg9[%run_scoped3A_25, %dma_start3A_166] : memref<4x128xi32, #tpu.memory_space<vmem>> -> memref<1x128xi32, #tpu.memory_space<vmem>>
      %dma_start3A_168 = tpu.memref_squeeze %dma_start3A_167 : memref<1x128xi32, #tpu.memory_space<vmem>> -> memref<128xi32, #tpu.memory_space<vmem>>
      %dma_start3A_169 = tpu.memref_slice %arg5[%add3A_24] : memref<16384xi32, #tpu.memory_space<hbm>> -> memref<128xi32, #tpu.memory_space<hbm>>
      tpu.enqueue_dma source(%dma_start3A_169 : memref<128xi32, #tpu.memory_space<hbm>>) target(%dma_start3A_168 : memref<128xi32, #tpu.memory_space<vmem>>) target_semaphore(%run_scoped3A_161 : memref<!tpu.dma_semaphore, #tpu.memory_space<semaphore_mem>>)
      %dma_wait3A_170 = arith.constant 0 : i32
      %dma_wait3A_171 = tpu.memref_slice %arg9[%run_scoped3A_25, %dma_wait3A_170] : memref<4x128xi32, #tpu.memory_space<vmem>> -> memref<1x128xi32, #tpu.memory_space<vmem>>
      %dma_wait3A_172 = tpu.memref_squeeze %dma_wait3A_171 : memref<1x128xi32, #tpu.memory_space<vmem>> -> memref<128xi32, #tpu.memory_space<vmem>>
      %dma_wait3A_173 = tpu.memref_slice %arg5[%add3A_24] : memref<16384xi32, #tpu.memory_space<hbm>> -> memref<128xi32, #tpu.memory_space<hbm>>
      %dma_wait3A_174 = arith.constant 0 : i32
      %dma_wait3A_175 = tpu.memref_slice %arg9[%run_scoped3A_25, %dma_wait3A_174] : memref<4x128xi32, #tpu.memory_space<vmem>> -> memref<1x128xi32, #tpu.memory_space<vmem>>
      %dma_wait3A_176 = tpu.memref_squeeze %dma_wait3A_175 : memref<1x128xi32, #tpu.memory_space<vmem>> -> memref<128xi32, #tpu.memory_space<vmem>>
      %dma_wait3A_177 = tpu.memref_slice %arg5[%add3A_24] : memref<16384xi32, #tpu.memory_space<hbm>> -> memref<128xi32, #tpu.memory_space<hbm>>
      tpu.wait_dma2 semaphore(%run_scoped3A_161 : memref<!tpu.dma_semaphore, #tpu.memory_space<semaphore_mem>>) src(%dma_wait3A_177 : memref<128xi32, #tpu.memory_space<hbm>>) dst(%dma_wait3A_176 : memref<128xi32, #tpu.memory_space<vmem>>)
      tpu.yield
    }) : () -> ()
    %dma_start3A_26 = arith.constant 1 : i32
    %dma_start3A_27 = arith.constant 128 : i32
    %dma_start3A_28 = tpu.memref_slice %arg11[%dma_start3A_27] : memref<512xf32, #tpu.memory_space<vmem>> -> memref<128xf32, #tpu.memory_space<vmem>>
    %dma_start3A_29 = arith.constant 0 : i32
    %dma_start3A_30 = tpu.memref_slice %arg9[%dma_start3A_26, %dma_start3A_29] : memref<4x128xi32, #tpu.memory_space<vmem>> -> memref<1x128xi32, #tpu.memory_space<vmem>>
    %dma_start3A_31 = tpu.memref_squeeze %dma_start3A_30 : memref<1x128xi32, #tpu.memory_space<vmem>> -> memref<128xi32, #tpu.memory_space<vmem>>
    %dma_start3A_32 = arith.constant 0 : i32
    %dma_start3A_33 = tpu.memref_slice %arg2[%dma_start3A_32] : memref<1048576xf32, #tpu.memory_space<hbm>> -> memref<1048576xf32, #tpu.memory_space<hbm>>
    tpu.enqueue_indirect_dma source(%dma_start3A_33 : memref<1048576xf32, #tpu.memory_space<hbm>>) target(%dma_start3A_28 : memref<128xf32, #tpu.memory_space<vmem>>) offsets(%dma_start3A_31 : memref<128xi32, #tpu.memory_space<vmem>>) semaphore(%arg16 : memref<!tpu.dma_semaphore, #tpu.memory_space<semaphore_mem>>)
    %add3A_34 = arith.constant 128 : i32
    %add3A_35 = arith.addi %mul3A_2, %add3A_34 : i32
    %run_scoped3A_36 = arith.constant 1 : i32
    "tpu.region"() ({
      %run_scoped3A_161 = tpu.sem_alloc : memref<!tpu.dma_semaphore, #tpu.memory_space<semaphore_mem>>
      %dma_start3A_162 = arith.constant 0 : i32
      %dma_start3A_163 = tpu.memref_slice %arg10[%run_scoped3A_36, %dma_start3A_162] : memref<4x128xi32, #tpu.memory_space<vmem>> -> memref<1x128xi32, #tpu.memory_space<vmem>>
      %dma_start3A_164 = tpu.memref_squeeze %dma_start3A_163 : memref<1x128xi32, #tpu.memory_space<vmem>> -> memref<128xi32, #tpu.memory_space<vmem>>
      %dma_start3A_165 = tpu.memref_slice %arg6[%add3A_35] : memref<16384xi32, #tpu.memory_space<hbm>> -> memref<128xi32, #tpu.memory_space<hbm>>
      %dma_start3A_166 = arith.constant 0 : i32
      %dma_start3A_167 = tpu.memref_slice %arg10[%run_scoped3A_36, %dma_start3A_166] : memref<4x128xi32, #tpu.memory_space<vmem>> -> memref<1x128xi32, #tpu.memory_space<vmem>>
      %dma_start3A_168 = tpu.memref_squeeze %dma_start3A_167 : memref<1x128xi32, #tpu.memory_space<vmem>> -> memref<128xi32, #tpu.memory_space<vmem>>
      %dma_start3A_169 = tpu.memref_slice %arg6[%add3A_35] : memref<16384xi32, #tpu.memory_space<hbm>> -> memref<128xi32, #tpu.memory_space<hbm>>
      tpu.enqueue_dma source(%dma_start3A_169 : memref<128xi32, #tpu.memory_space<hbm>>) target(%dma_start3A_168 : memref<128xi32, #tpu.memory_space<vmem>>) target_semaphore(%run_scoped3A_161 : memref<!tpu.dma_semaphore, #tpu.memory_space<semaphore_mem>>)
      %dma_wait3A_170 = arith.constant 0 : i32
      %dma_wait3A_171 = tpu.memref_slice %arg10[%run_scoped3A_36, %dma_wait3A_170] : memref<4x128xi32, #tpu.memory_space<vmem>> -> memref<1x128xi32, #tpu.memory_space<vmem>>
      %dma_wait3A_172 = tpu.memref_squeeze %dma_wait3A_171 : memref<1x128xi32, #tpu.memory_space<vmem>> -> memref<128xi32, #tpu.memory_space<vmem>>
      %dma_wait3A_173 = tpu.memref_slice %arg6[%add3A_35] : memref<16384xi32, #tpu.memory_space<hbm>> -> memref<128xi32, #tpu.memory_space<hbm>>
      %dma_wait3A_174 = arith.constant 0 : i32
      %dma_wait3A_175 = tpu.memref_slice %arg10[%run_scoped3A_36, %dma_wait3A_174] : memref<4x128xi32, #tpu.memory_space<vmem>> -> memref<1x128xi32, #tpu.memory_space<vmem>>
      %dma_wait3A_176 = tpu.memref_squeeze %dma_wait3A_175 : memref<1x128xi32, #tpu.memory_space<vmem>> -> memref<128xi32, #tpu.memory_space<vmem>>
      %dma_wait3A_177 = tpu.memref_slice %arg6[%add3A_35] : memref<16384xi32, #tpu.memory_space<hbm>> -> memref<128xi32, #tpu.memory_space<hbm>>
      tpu.wait_dma2 semaphore(%run_scoped3A_161 : memref<!tpu.dma_semaphore, #tpu.memory_space<semaphore_mem>>) src(%dma_wait3A_177 : memref<128xi32, #tpu.memory_space<hbm>>) dst(%dma_wait3A_176 : memref<128xi32, #tpu.memory_space<vmem>>)
      tpu.yield
    }) : () -> ()
    %dma_start3A_37 = arith.constant 1 : i32
    %dma_start3A_38 = arith.constant 128 : i32
    %dma_start3A_39 = tpu.memref_slice %arg12[%dma_start3A_38] : memref<512xf32, #tpu.memory_space<vmem>> -> memref<128xf32, #tpu.memory_space<vmem>>
    %dma_start3A_40 = arith.constant 0 : i32
    %dma_start3A_41 = tpu.memref_slice %arg10[%dma_start3A_37, %dma_start3A_40] : memref<4x128xi32, #tpu.memory_space<vmem>> -> memref<1x128xi32, #tpu.memory_space<vmem>>
    %dma_start3A_42 = tpu.memref_squeeze %dma_start3A_41 : memref<1x128xi32, #tpu.memory_space<vmem>> -> memref<128xi32, #tpu.memory_space<vmem>>
    %dma_start3A_43 = arith.constant 0 : i32
    %dma_start3A_44 = tpu.memref_slice %arg3[%dma_start3A_43] : memref<100001xf32, #tpu.memory_space<hbm>> -> memref<100001xf32, #tpu.memory_space<hbm>>
    tpu.enqueue_indirect_dma source(%dma_start3A_44 : memref<100001xf32, #tpu.memory_space<hbm>>) target(%dma_start3A_39 : memref<128xf32, #tpu.memory_space<vmem>>) offsets(%dma_start3A_42 : memref<128xi32, #tpu.memory_space<vmem>>) semaphore(%arg16 : memref<!tpu.dma_semaphore, #tpu.memory_space<semaphore_mem>>)
    %add3A_45 = arith.constant 256 : i32
    %add3A_46 = arith.addi %mul3A_2, %add3A_45 : i32
    %run_scoped3A_47 = arith.constant 2 : i32
    "tpu.region"() ({
      %run_scoped3A_161 = tpu.sem_alloc : memref<!tpu.dma_semaphore, #tpu.memory_space<semaphore_mem>>
      %dma_start3A_162 = arith.constant 0 : i32
      %dma_start3A_163 = tpu.memref_slice %arg9[%run_scoped3A_47, %dma_start3A_162] : memref<4x128xi32, #tpu.memory_space<vmem>> -> memref<1x128xi32, #tpu.memory_space<vmem>>
      %dma_start3A_164 = tpu.memref_squeeze %dma_start3A_163 : memref<1x128xi32, #tpu.memory_space<vmem>> -> memref<128xi32, #tpu.memory_space<vmem>>
      %dma_start3A_165 = tpu.memref_slice %arg5[%add3A_46] : memref<16384xi32, #tpu.memory_space<hbm>> -> memref<128xi32, #tpu.memory_space<hbm>>
      %dma_start3A_166 = arith.constant 0 : i32
      %dma_start3A_167 = tpu.memref_slice %arg9[%run_scoped3A_47, %dma_start3A_166] : memref<4x128xi32, #tpu.memory_space<vmem>> -> memref<1x128xi32, #tpu.memory_space<vmem>>
      %dma_start3A_168 = tpu.memref_squeeze %dma_start3A_167 : memref<1x128xi32, #tpu.memory_space<vmem>> -> memref<128xi32, #tpu.memory_space<vmem>>
      %dma_start3A_169 = tpu.memref_slice %arg5[%add3A_46] : memref<16384xi32, #tpu.memory_space<hbm>> -> memref<128xi32, #tpu.memory_space<hbm>>
      tpu.enqueue_dma source(%dma_start3A_169 : memref<128xi32, #tpu.memory_space<hbm>>) target(%dma_start3A_168 : memref<128xi32, #tpu.memory_space<vmem>>) target_semaphore(%run_scoped3A_161 : memref<!tpu.dma_semaphore, #tpu.memory_space<semaphore_mem>>)
      %dma_wait3A_170 = arith.constant 0 : i32
      %dma_wait3A_171 = tpu.memref_slice %arg9[%run_scoped3A_47, %dma_wait3A_170] : memref<4x128xi32, #tpu.memory_space<vmem>> -> memref<1x128xi32, #tpu.memory_space<vmem>>
      %dma_wait3A_172 = tpu.memref_squeeze %dma_wait3A_171 : memref<1x128xi32, #tpu.memory_space<vmem>> -> memref<128xi32, #tpu.memory_space<vmem>>
      %dma_wait3A_173 = tpu.memref_slice %arg5[%add3A_46] : memref<16384xi32, #tpu.memory_space<hbm>> -> memref<128xi32, #tpu.memory_space<hbm>>
      %dma_wait3A_174 = arith.constant 0 : i32
      %dma_wait3A_175 = tpu.memref_slice %arg9[%run_scoped3A_47, %dma_wait3A_174] : memref<4x128xi32, #tpu.memory_space<vmem>> -> memref<1x128xi32, #tpu.memory_space<vmem>>
      %dma_wait3A_176 = tpu.memref_squeeze %dma_wait3A_175 : memref<1x128xi32, #tpu.memory_space<vmem>> -> memref<128xi32, #tpu.memory_space<vmem>>
      %dma_wait3A_177 = tpu.memref_slice %arg5[%add3A_46] : memref<16384xi32, #tpu.memory_space<hbm>> -> memref<128xi32, #tpu.memory_space<hbm>>
      tpu.wait_dma2 semaphore(%run_scoped3A_161 : memref<!tpu.dma_semaphore, #tpu.memory_space<semaphore_mem>>) src(%dma_wait3A_177 : memref<128xi32, #tpu.memory_space<hbm>>) dst(%dma_wait3A_176 : memref<128xi32, #tpu.memory_space<vmem>>)
      tpu.yield
    }) : () -> ()
    %dma_start3A_48 = arith.constant 2 : i32
    %dma_start3A_49 = arith.constant 256 : i32
    %dma_start3A_50 = tpu.memref_slice %arg11[%dma_start3A_49] : memref<512xf32, #tpu.memory_space<vmem>> -> memref<128xf32, #tpu.memory_space<vmem>>
    %dma_start3A_51 = arith.constant 0 : i32
    %dma_start3A_52 = tpu.memref_slice %arg9[%dma_start3A_48, %dma_start3A_51] : memref<4x128xi32, #tpu.memory_space<vmem>> -> memref<1x128xi32, #tpu.memory_space<vmem>>
    %dma_start3A_53 = tpu.memref_squeeze %dma_start3A_52 : memref<1x128xi32, #tpu.memory_space<vmem>> -> memref<128xi32, #tpu.memory_space<vmem>>
    %dma_start3A_54 = arith.constant 0 : i32
    %dma_start3A_55 = tpu.memref_slice %arg2[%dma_start3A_54] : memref<1048576xf32, #tpu.memory_space<hbm>> -> memref<1048576xf32, #tpu.memory_space<hbm>>
    tpu.enqueue_indirect_dma source(%dma_start3A_55 : memref<1048576xf32, #tpu.memory_space<hbm>>) target(%dma_start3A_50 : memref<128xf32, #tpu.memory_space<vmem>>) offsets(%dma_start3A_53 : memref<128xi32, #tpu.memory_space<vmem>>) semaphore(%arg16 : memref<!tpu.dma_semaphore, #tpu.memory_space<semaphore_mem>>)
    %add3A_56 = arith.constant 256 : i32
    %add3A_57 = arith.addi %mul3A_2, %add3A_56 : i32
    %run_scoped3A_58 = arith.constant 2 : i32
    "tpu.region"() ({
      %run_scoped3A_161 = tpu.sem_alloc : memref<!tpu.dma_semaphore, #tpu.memory_space<semaphore_mem>>
      %dma_start3A_162 = arith.constant 0 : i32
      %dma_start3A_163 = tpu.memref_slice %arg10[%run_scoped3A_58, %dma_start3A_162] : memref<4x128xi32, #tpu.memory_space<vmem>> -> memref<1x128xi32, #tpu.memory_space<vmem>>
      %dma_start3A_164 = tpu.memref_squeeze %dma_start3A_163 : memref<1x128xi32, #tpu.memory_space<vmem>> -> memref<128xi32, #tpu.memory_space<vmem>>
      %dma_start3A_165 = tpu.memref_slice %arg6[%add3A_57] : memref<16384xi32, #tpu.memory_space<hbm>> -> memref<128xi32, #tpu.memory_space<hbm>>
      %dma_start3A_166 = arith.constant 0 : i32
      %dma_start3A_167 = tpu.memref_slice %arg10[%run_scoped3A_58, %dma_start3A_166] : memref<4x128xi32, #tpu.memory_space<vmem>> -> memref<1x128xi32, #tpu.memory_space<vmem>>
      %dma_start3A_168 = tpu.memref_squeeze %dma_start3A_167 : memref<1x128xi32, #tpu.memory_space<vmem>> -> memref<128xi32, #tpu.memory_space<vmem>>
      %dma_start3A_169 = tpu.memref_slice %arg6[%add3A_57] : memref<16384xi32, #tpu.memory_space<hbm>> -> memref<128xi32, #tpu.memory_space<hbm>>
      tpu.enqueue_dma source(%dma_start3A_169 : memref<128xi32, #tpu.memory_space<hbm>>) target(%dma_start3A_168 : memref<128xi32, #tpu.memory_space<vmem>>) target_semaphore(%run_scoped3A_161 : memref<!tpu.dma_semaphore, #tpu.memory_space<semaphore_mem>>)
      %dma_wait3A_170 = arith.constant 0 : i32
      %dma_wait3A_171 = tpu.memref_slice %arg10[%run_scoped3A_58, %dma_wait3A_170] : memref<4x128xi32, #tpu.memory_space<vmem>> -> memref<1x128xi32, #tpu.memory_space<vmem>>
      %dma_wait3A_172 = tpu.memref_squeeze %dma_wait3A_171 : memref<1x128xi32, #tpu.memory_space<vmem>> -> memref<128xi32, #tpu.memory_space<vmem>>
      %dma_wait3A_173 = tpu.memref_slice %arg6[%add3A_57] : memref<16384xi32, #tpu.memory_space<hbm>> -> memref<128xi32, #tpu.memory_space<hbm>>
      %dma_wait3A_174 = arith.constant 0 : i32
      %dma_wait3A_175 = tpu.memref_slice %arg10[%run_scoped3A_58, %dma_wait3A_174] : memref<4x128xi32, #tpu.memory_space<vmem>> -> memref<1x128xi32, #tpu.memory_space<vmem>>
      %dma_wait3A_176 = tpu.memref_squeeze %dma_wait3A_175 : memref<1x128xi32, #tpu.memory_space<vmem>> -> memref<128xi32, #tpu.memory_space<vmem>>
      %dma_wait3A_177 = tpu.memref_slice %arg6[%add3A_57] : memref<16384xi32, #tpu.memory_space<hbm>> -> memref<128xi32, #tpu.memory_space<hbm>>
      tpu.wait_dma2 semaphore(%run_scoped3A_161 : memref<!tpu.dma_semaphore, #tpu.memory_space<semaphore_mem>>) src(%dma_wait3A_177 : memref<128xi32, #tpu.memory_space<hbm>>) dst(%dma_wait3A_176 : memref<128xi32, #tpu.memory_space<vmem>>)
      tpu.yield
    }) : () -> ()
    %dma_start3A_59 = arith.constant 2 : i32
    %dma_start3A_60 = arith.constant 256 : i32
    %dma_start3A_61 = tpu.memref_slice %arg12[%dma_start3A_60] : memref<512xf32, #tpu.memory_space<vmem>> -> memref<128xf32, #tpu.memory_space<vmem>>
    %dma_start3A_62 = arith.constant 0 : i32
    %dma_start3A_63 = tpu.memref_slice %arg10[%dma_start3A_59, %dma_start3A_62] : memref<4x128xi32, #tpu.memory_space<vmem>> -> memref<1x128xi32, #tpu.memory_space<vmem>>
    %dma_start3A_64 = tpu.memref_squeeze %dma_start3A_63 : memref<1x128xi32, #tpu.memory_space<vmem>> -> memref<128xi32, #tpu.memory_space<vmem>>
    %dma_start3A_65 = arith.constant 0 : i32
    %dma_start3A_66 = tpu.memref_slice %arg3[%dma_start3A_65] : memref<100001xf32, #tpu.memory_space<hbm>> -> memref<100001xf32, #tpu.memory_space<hbm>>
    tpu.enqueue_indirect_dma source(%dma_start3A_66 : memref<100001xf32, #tpu.memory_space<hbm>>) target(%dma_start3A_61 : memref<128xf32, #tpu.memory_space<vmem>>) offsets(%dma_start3A_64 : memref<128xi32, #tpu.memory_space<vmem>>) semaphore(%arg16 : memref<!tpu.dma_semaphore, #tpu.memory_space<semaphore_mem>>)
    %add3A_67 = arith.constant 384 : i32
    %add3A_68 = arith.addi %mul3A_2, %add3A_67 : i32
    %run_scoped3A_69 = arith.constant 3 : i32
    "tpu.region"() ({
      %run_scoped3A_161 = tpu.sem_alloc : memref<!tpu.dma_semaphore, #tpu.memory_space<semaphore_mem>>
      %dma_start3A_162 = arith.constant 0 : i32
      %dma_start3A_163 = tpu.memref_slice %arg9[%run_scoped3A_69, %dma_start3A_162] : memref<4x128xi32, #tpu.memory_space<vmem>> -> memref<1x128xi32, #tpu.memory_space<vmem>>
      %dma_start3A_164 = tpu.memref_squeeze %dma_start3A_163 : memref<1x128xi32, #tpu.memory_space<vmem>> -> memref<128xi32, #tpu.memory_space<vmem>>
      %dma_start3A_165 = tpu.memref_slice %arg5[%add3A_68] : memref<16384xi32, #tpu.memory_space<hbm>> -> memref<128xi32, #tpu.memory_space<hbm>>
      %dma_start3A_166 = arith.constant 0 : i32
      %dma_start3A_167 = tpu.memref_slice %arg9[%run_scoped3A_69, %dma_start3A_166] : memref<4x128xi32, #tpu.memory_space<vmem>> -> memref<1x128xi32, #tpu.memory_space<vmem>>
      %dma_start3A_168 = tpu.memref_squeeze %dma_start3A_167 : memref<1x128xi32, #tpu.memory_space<vmem>> -> memref<128xi32, #tpu.memory_space<vmem>>
      %dma_start3A_169 = tpu.memref_slice %arg5[%add3A_68] : memref<16384xi32, #tpu.memory_space<hbm>> -> memref<128xi32, #tpu.memory_space<hbm>>
      tpu.enqueue_dma source(%dma_start3A_169 : memref<128xi32, #tpu.memory_space<hbm>>) target(%dma_start3A_168 : memref<128xi32, #tpu.memory_space<vmem>>) target_semaphore(%run_scoped3A_161 : memref<!tpu.dma_semaphore, #tpu.memory_space<semaphore_mem>>)
      %dma_wait3A_170 = arith.constant 0 : i32
      %dma_wait3A_171 = tpu.memref_slice %arg9[%run_scoped3A_69, %dma_wait3A_170] : memref<4x128xi32, #tpu.memory_space<vmem>> -> memref<1x128xi32, #tpu.memory_space<vmem>>
      %dma_wait3A_172 = tpu.memref_squeeze %dma_wait3A_171 : memref<1x128xi32, #tpu.memory_space<vmem>> -> memref<128xi32, #tpu.memory_space<vmem>>
      %dma_wait3A_173 = tpu.memref_slice %arg5[%add3A_68] : memref<16384xi32, #tpu.memory_space<hbm>> -> memref<128xi32, #tpu.memory_space<hbm>>
      %dma_wait3A_174 = arith.constant 0 : i32
      %dma_wait3A_175 = tpu.memref_slice %arg9[%run_scoped3A_69, %dma_wait3A_174] : memref<4x128xi32, #tpu.memory_space<vmem>> -> memref<1x128xi32, #tpu.memory_space<vmem>>
      %dma_wait3A_176 = tpu.memref_squeeze %dma_wait3A_175 : memref<1x128xi32, #tpu.memory_space<vmem>> -> memref<128xi32, #tpu.memory_space<vmem>>
      %dma_wait3A_177 = tpu.memref_slice %arg5[%add3A_68] : memref<16384xi32, #tpu.memory_space<hbm>> -> memref<128xi32, #tpu.memory_space<hbm>>
      tpu.wait_dma2 semaphore(%run_scoped3A_161 : memref<!tpu.dma_semaphore, #tpu.memory_space<semaphore_mem>>) src(%dma_wait3A_177 : memref<128xi32, #tpu.memory_space<hbm>>) dst(%dma_wait3A_176 : memref<128xi32, #tpu.memory_space<vmem>>)
      tpu.yield
    }) : () -> ()
    %dma_start3A_70 = arith.constant 3 : i32
    %dma_start3A_71 = arith.constant 384 : i32
    %dma_start3A_72 = tpu.memref_slice %arg11[%dma_start3A_71] : memref<512xf32, #tpu.memory_space<vmem>> -> memref<128xf32, #tpu.memory_space<vmem>>
    %dma_start3A_73 = arith.constant 0 : i32
    %dma_start3A_74 = tpu.memref_slice %arg9[%dma_start3A_70, %dma_start3A_73] : memref<4x128xi32, #tpu.memory_space<vmem>> -> memref<1x128xi32, #tpu.memory_space<vmem>>
    %dma_start3A_75 = tpu.memref_squeeze %dma_start3A_74 : memref<1x128xi32, #tpu.memory_space<vmem>> -> memref<128xi32, #tpu.memory_space<vmem>>
    %dma_start3A_76 = arith.constant 0 : i32
    %dma_start3A_77 = tpu.memref_slice %arg2[%dma_start3A_76] : memref<1048576xf32, #tpu.memory_space<hbm>> -> memref<1048576xf32, #tpu.memory_space<hbm>>
    tpu.enqueue_indirect_dma source(%dma_start3A_77 : memref<1048576xf32, #tpu.memory_space<hbm>>) target(%dma_start3A_72 : memref<128xf32, #tpu.memory_space<vmem>>) offsets(%dma_start3A_75 : memref<128xi32, #tpu.memory_space<vmem>>) semaphore(%arg16 : memref<!tpu.dma_semaphore, #tpu.memory_space<semaphore_mem>>)
    %add3A_78 = arith.constant 384 : i32
    %add3A_79 = arith.addi %mul3A_2, %add3A_78 : i32
    %run_scoped3A_80 = arith.constant 3 : i32
    "tpu.region"() ({
      %run_scoped3A_161 = tpu.sem_alloc : memref<!tpu.dma_semaphore, #tpu.memory_space<semaphore_mem>>
      %dma_start3A_162 = arith.constant 0 : i32
      %dma_start3A_163 = tpu.memref_slice %arg10[%run_scoped3A_80, %dma_start3A_162] : memref<4x128xi32, #tpu.memory_space<vmem>> -> memref<1x128xi32, #tpu.memory_space<vmem>>
      %dma_start3A_164 = tpu.memref_squeeze %dma_start3A_163 : memref<1x128xi32, #tpu.memory_space<vmem>> -> memref<128xi32, #tpu.memory_space<vmem>>
      %dma_start3A_165 = tpu.memref_slice %arg6[%add3A_79] : memref<16384xi32, #tpu.memory_space<hbm>> -> memref<128xi32, #tpu.memory_space<hbm>>
      %dma_start3A_166 = arith.constant 0 : i32
      %dma_start3A_167 = tpu.memref_slice %arg10[%run_scoped3A_80, %dma_start3A_166] : memref<4x128xi32, #tpu.memory_space<vmem>> -> memref<1x128xi32, #tpu.memory_space<vmem>>
      %dma_start3A_168 = tpu.memref_squeeze %dma_start3A_167 : memref<1x128xi32, #tpu.memory_space<vmem>> -> memref<128xi32, #tpu.memory_space<vmem>>
      %dma_start3A_169 = tpu.memref_slice %arg6[%add3A_79] : memref<16384xi32, #tpu.memory_space<hbm>> -> memref<128xi32, #tpu.memory_space<hbm>>
      tpu.enqueue_dma source(%dma_start3A_169 : memref<128xi32, #tpu.memory_space<hbm>>) target(%dma_start3A_168 : memref<128xi32, #tpu.memory_space<vmem>>) target_semaphore(%run_scoped3A_161 : memref<!tpu.dma_semaphore, #tpu.memory_space<semaphore_mem>>)
      %dma_wait3A_170 = arith.constant 0 : i32
      %dma_wait3A_171 = tpu.memref_slice %arg10[%run_scoped3A_80, %dma_wait3A_170] : memref<4x128xi32, #tpu.memory_space<vmem>> -> memref<1x128xi32, #tpu.memory_space<vmem>>
      %dma_wait3A_172 = tpu.memref_squeeze %dma_wait3A_171 : memref<1x128xi32, #tpu.memory_space<vmem>> -> memref<128xi32, #tpu.memory_space<vmem>>
      %dma_wait3A_173 = tpu.memref_slice %arg6[%add3A_79] : memref<16384xi32, #tpu.memory_space<hbm>> -> memref<128xi32, #tpu.memory_space<hbm>>
      %dma_wait3A_174 = arith.constant 0 : i32
      %dma_wait3A_175 = tpu.memref_slice %arg10[%run_scoped3A_80, %dma_wait3A_174] : memref<4x128xi32, #tpu.memory_space<vmem>> -> memref<1x128xi32, #tpu.memory_space<vmem>>
      %dma_wait3A_176 = tpu.memref_squeeze %dma_wait3A_175 : memref<1x128xi32, #tpu.memory_space<vmem>> -> memref<128xi32, #tpu.memory_space<vmem>>
      %dma_wait3A_177 = tpu.memref_slice %arg6[%add3A_79] : memref<16384xi32, #tpu.memory_space<hbm>> -> memref<128xi32, #tpu.memory_space<hbm>>
      tpu.wait_dma2 semaphore(%run_scoped3A_161 : memref<!tpu.dma_semaphore, #tpu.memory_space<semaphore_mem>>) src(%dma_wait3A_177 : memref<128xi32, #tpu.memory_space<hbm>>) dst(%dma_wait3A_176 : memref<128xi32, #tpu.memory_space<vmem>>)
      tpu.yield
    }) : () -> ()
    %dma_start3A_81 = arith.constant 3 : i32
    %dma_start3A_82 = arith.constant 384 : i32
    %dma_start3A_83 = tpu.memref_slice %arg12[%dma_start3A_82] : memref<512xf32, #tpu.memory_space<vmem>> -> memref<128xf32, #tpu.memory_space<vmem>>
    %dma_start3A_84 = arith.constant 0 : i32
    %dma_start3A_85 = tpu.memref_slice %arg10[%dma_start3A_81, %dma_start3A_84] : memref<4x128xi32, #tpu.memory_space<vmem>> -> memref<1x128xi32, #tpu.memory_space<vmem>>
    %dma_start3A_86 = tpu.memref_squeeze %dma_start3A_85 : memref<1x128xi32, #tpu.memory_space<vmem>> -> memref<128xi32, #tpu.memory_space<vmem>>
    %dma_start3A_87 = arith.constant 0 : i32
    %dma_start3A_88 = tpu.memref_slice %arg3[%dma_start3A_87] : memref<100001xf32, #tpu.memory_space<hbm>> -> memref<100001xf32, #tpu.memory_space<hbm>>
    tpu.enqueue_indirect_dma source(%dma_start3A_88 : memref<100001xf32, #tpu.memory_space<hbm>>) target(%dma_start3A_83 : memref<128xf32, #tpu.memory_space<vmem>>) offsets(%dma_start3A_86 : memref<128xi32, #tpu.memory_space<vmem>>) semaphore(%arg16 : memref<!tpu.dma_semaphore, #tpu.memory_space<semaphore_mem>>)
    %run_scoped3A_89 = arith.constant 0 : i32
    "tpu.region"() ({
      %run_scoped3A_161 = tpu.sem_alloc : memref<!tpu.dma_semaphore, #tpu.memory_space<semaphore_mem>>
      %dma_start3A_162 = arith.constant 0 : i32
      %dma_start3A_163 = tpu.memref_slice %arg4[%run_scoped3A_89, %dma_start3A_162] : memref<1x128xf32, #tpu.memory_space<hbm>> -> memref<1x128xf32, #tpu.memory_space<hbm>>
      %dma_start3A_164 = tpu.memref_squeeze %dma_start3A_163 : memref<1x128xf32, #tpu.memory_space<hbm>> -> memref<128xf32, #tpu.memory_space<hbm>>
      %dma_start3A_165 = arith.constant 0 : i32
      %dma_start3A_166 = tpu.memref_slice %arg4[%run_scoped3A_89, %dma_start3A_165] : memref<1x128xf32, #tpu.memory_space<hbm>> -> memref<1x128xf32, #tpu.memory_space<hbm>>
      %dma_start3A_167 = tpu.memref_squeeze %dma_start3A_166 : memref<1x128xf32, #tpu.memory_space<hbm>> -> memref<128xf32, #tpu.memory_space<hbm>>
      tpu.enqueue_dma source(%dma_start3A_167 : memref<128xf32, #tpu.memory_space<hbm>>) target(%arg13 : memref<128xf32, #tpu.memory_space<vmem>>) target_semaphore(%run_scoped3A_161 : memref<!tpu.dma_semaphore, #tpu.memory_space<semaphore_mem>>)
      %dma_wait3A_168 = arith.constant 0 : i32
      %dma_wait3A_169 = tpu.memref_slice %arg4[%run_scoped3A_89, %dma_wait3A_168] : memref<1x128xf32, #tpu.memory_space<hbm>> -> memref<1x128xf32, #tpu.memory_space<hbm>>
      %dma_wait3A_170 = tpu.memref_squeeze %dma_wait3A_169 : memref<1x128xf32, #tpu.memory_space<hbm>> -> memref<128xf32, #tpu.memory_space<hbm>>
      %dma_wait3A_171 = arith.constant 0 : i32
      %dma_wait3A_172 = tpu.memref_slice %arg4[%run_scoped3A_89, %dma_wait3A_171] : memref<1x128xf32, #tpu.memory_space<hbm>> -> memref<1x128xf32, #tpu.memory_space<hbm>>
      %dma_wait3A_173 = tpu.memref_squeeze %dma_wait3A_172 : memref<1x128xf32, #tpu.memory_space<hbm>> -> memref<128xf32, #tpu.memory_space<hbm>>
      tpu.wait_dma2 semaphore(%run_scoped3A_161 : memref<!tpu.dma_semaphore, #tpu.memory_space<semaphore_mem>>) src(%dma_wait3A_173 : memref<128xf32, #tpu.memory_space<hbm>>) dst(%arg13 : memref<128xf32, #tpu.memory_space<vmem>>)
      tpu.yield
    }) : () -> ()
    "tpu.region"() ({
      %run_scoped3A_161 = tpu.sem_alloc : memref<!tpu.dma_semaphore, #tpu.memory_space<semaphore_mem>>
      tpu.enqueue_dma source(%arg7 : memref<16xf32, #tpu.memory_space<hbm>>) target(%arg14 : memref<16xf32, #tpu.memory_space<vmem>>) target_semaphore(%run_scoped3A_161 : memref<!tpu.dma_semaphore, #tpu.memory_space<semaphore_mem>>)
      tpu.wait_dma2 semaphore(%run_scoped3A_161 : memref<!tpu.dma_semaphore, #tpu.memory_space<semaphore_mem>>) src(%arg7 : memref<16xf32, #tpu.memory_space<hbm>>) dst(%arg14 : memref<16xf32, #tpu.memory_space<vmem>>)
      tpu.yield
    }) : () -> ()
    %dma_wait3A = arith.constant 0 : i32
    %dma_wait3A_90 = arith.constant 0 : i32
    %dma_wait3A_91 = tpu.memref_slice %arg11[%dma_wait3A_90] : memref<512xf32, #tpu.memory_space<vmem>> -> memref<128xf32, #tpu.memory_space<vmem>>
    %dma_wait3A_92 = arith.constant 0 : i32
    %dma_wait3A_93 = tpu.memref_slice %arg9[%dma_wait3A, %dma_wait3A_92] : memref<4x128xi32, #tpu.memory_space<vmem>> -> memref<1x128xi32, #tpu.memory_space<vmem>>
    %dma_wait3A_94 = tpu.memref_squeeze %dma_wait3A_93 : memref<1x128xi32, #tpu.memory_space<vmem>> -> memref<128xi32, #tpu.memory_space<vmem>>
    %dma_wait3A_95 = arith.constant 0 : i32
    %dma_wait3A_96 = tpu.memref_slice %arg2[%dma_wait3A_95] : memref<1048576xf32, #tpu.memory_space<hbm>> -> memref<1048576xf32, #tpu.memory_space<hbm>>
    tpu.wait_indirect_dma semaphore(%arg16 : memref<!tpu.dma_semaphore, #tpu.memory_space<semaphore_mem>>) src(%dma_wait3A_96 : memref<1048576xf32, #tpu.memory_space<hbm>>) dst(%dma_wait3A_91 : memref<128xf32, #tpu.memory_space<vmem>>)
    %dma_wait3A_97 = arith.constant 0 : i32
    %dma_wait3A_98 = arith.constant 0 : i32
    %dma_wait3A_99 = tpu.memref_slice %arg12[%dma_wait3A_98] : memref<512xf32, #tpu.memory_space<vmem>> -> memref<128xf32, #tpu.memory_space<vmem>>
    %dma_wait3A_100 = arith.constant 0 : i32
    %dma_wait3A_101 = tpu.memref_slice %arg10[%dma_wait3A_97, %dma_wait3A_100] : memref<4x128xi32, #tpu.memory_space<vmem>> -> memref<1x128xi32, #tpu.memory_space<vmem>>
    %dma_wait3A_102 = tpu.memref_squeeze %dma_wait3A_101 : memref<1x128xi32, #tpu.memory_space<vmem>> -> memref<128xi32, #tpu.memory_space<vmem>>
    %dma_wait3A_103 = arith.constant 0 : i32
    %dma_wait3A_104 = tpu.memref_slice %arg3[%dma_wait3A_103] : memref<100001xf32, #tpu.memory_space<hbm>> -> memref<100001xf32, #tpu.memory_space<hbm>>
    tpu.wait_indirect_dma semaphore(%arg16 : memref<!tpu.dma_semaphore, #tpu.memory_space<semaphore_mem>>) src(%dma_wait3A_104 : memref<100001xf32, #tpu.memory_space<hbm>>) dst(%dma_wait3A_99 : memref<128xf32, #tpu.memory_space<vmem>>)
    %dma_wait3A_105 = arith.constant 1 : i32
    %dma_wait3A_106 = arith.constant 128 : i32
    %dma_wait3A_107 = tpu.memref_slice %arg11[%dma_wait3A_106] : memref<512xf32, #tpu.memory_space<vmem>> -> memref<128xf32, #tpu.memory_space<vmem>>
    %dma_wait3A_108 = arith.constant 0 : i32
    %dma_wait3A_109 = tpu.memref_slice %arg9[%dma_wait3A_105, %dma_wait3A_108] : memref<4x128xi32, #tpu.memory_space<vmem>> -> memref<1x128xi32, #tpu.memory_space<vmem>>
    %dma_wait3A_110 = tpu.memref_squeeze %dma_wait3A_109 : memref<1x128xi32, #tpu.memory_space<vmem>> -> memref<128xi32, #tpu.memory_space<vmem>>
    %dma_wait3A_111 = arith.constant 0 : i32
    %dma_wait3A_112 = tpu.memref_slice %arg2[%dma_wait3A_111] : memref<1048576xf32, #tpu.memory_space<hbm>> -> memref<1048576xf32, #tpu.memory_space<hbm>>
    tpu.wait_indirect_dma semaphore(%arg16 : memref<!tpu.dma_semaphore, #tpu.memory_space<semaphore_mem>>) src(%dma_wait3A_112 : memref<1048576xf32, #tpu.memory_space<hbm>>) dst(%dma_wait3A_107 : memref<128xf32, #tpu.memory_space<vmem>>)
    %dma_wait3A_113 = arith.constant 1 : i32
    %dma_wait3A_114 = arith.constant 128 : i32
    %dma_wait3A_115 = tpu.memref_slice %arg12[%dma_wait3A_114] : memref<512xf32, #tpu.memory_space<vmem>> -> memref<128xf32, #tpu.memory_space<vmem>>
    %dma_wait3A_116 = arith.constant 0 : i32
    %dma_wait3A_117 = tpu.memref_slice %arg10[%dma_wait3A_113, %dma_wait3A_116] : memref<4x128xi32, #tpu.memory_space<vmem>> -> memref<1x128xi32, #tpu.memory_space<vmem>>
    %dma_wait3A_118 = tpu.memref_squeeze %dma_wait3A_117 : memref<1x128xi32, #tpu.memory_space<vmem>> -> memref<128xi32, #tpu.memory_space<vmem>>
    %dma_wait3A_119 = arith.constant 0 : i32
    %dma_wait3A_120 = tpu.memref_slice %arg3[%dma_wait3A_119] : memref<100001xf32, #tpu.memory_space<hbm>> -> memref<100001xf32, #tpu.memory_space<hbm>>
    tpu.wait_indirect_dma semaphore(%arg16 : memref<!tpu.dma_semaphore, #tpu.memory_space<semaphore_mem>>) src(%dma_wait3A_120 : memref<100001xf32, #tpu.memory_space<hbm>>) dst(%dma_wait3A_115 : memref<128xf32, #tpu.memory_space<vmem>>)
    %dma_wait3A_121 = arith.constant 2 : i32
    %dma_wait3A_122 = arith.constant 256 : i32
    %dma_wait3A_123 = tpu.memref_slice %arg11[%dma_wait3A_122] : memref<512xf32, #tpu.memory_space<vmem>> -> memref<128xf32, #tpu.memory_space<vmem>>
    %dma_wait3A_124 = arith.constant 0 : i32
    %dma_wait3A_125 = tpu.memref_slice %arg9[%dma_wait3A_121, %dma_wait3A_124] : memref<4x128xi32, #tpu.memory_space<vmem>> -> memref<1x128xi32, #tpu.memory_space<vmem>>
    %dma_wait3A_126 = tpu.memref_squeeze %dma_wait3A_125 : memref<1x128xi32, #tpu.memory_space<vmem>> -> memref<128xi32, #tpu.memory_space<vmem>>
    %dma_wait3A_127 = arith.constant 0 : i32
    %dma_wait3A_128 = tpu.memref_slice %arg2[%dma_wait3A_127] : memref<1048576xf32, #tpu.memory_space<hbm>> -> memref<1048576xf32, #tpu.memory_space<hbm>>
    tpu.wait_indirect_dma semaphore(%arg16 : memref<!tpu.dma_semaphore, #tpu.memory_space<semaphore_mem>>) src(%dma_wait3A_128 : memref<1048576xf32, #tpu.memory_space<hbm>>) dst(%dma_wait3A_123 : memref<128xf32, #tpu.memory_space<vmem>>)
    %dma_wait3A_129 = arith.constant 2 : i32
    %dma_wait3A_130 = arith.constant 256 : i32
    %dma_wait3A_131 = tpu.memref_slice %arg12[%dma_wait3A_130] : memref<512xf32, #tpu.memory_space<vmem>> -> memref<128xf32, #tpu.memory_space<vmem>>
    %dma_wait3A_132 = arith.constant 0 : i32
    %dma_wait3A_133 = tpu.memref_slice %arg10[%dma_wait3A_129, %dma_wait3A_132] : memref<4x128xi32, #tpu.memory_space<vmem>> -> memref<1x128xi32, #tpu.memory_space<vmem>>
    %dma_wait3A_134 = tpu.memref_squeeze %dma_wait3A_133 : memref<1x128xi32, #tpu.memory_space<vmem>> -> memref<128xi32, #tpu.memory_space<vmem>>
    %dma_wait3A_135 = arith.constant 0 : i32
    %dma_wait3A_136 = tpu.memref_slice %arg3[%dma_wait3A_135] : memref<100001xf32, #tpu.memory_space<hbm>> -> memref<100001xf32, #tpu.memory_space<hbm>>
    tpu.wait_indirect_dma semaphore(%arg16 : memref<!tpu.dma_semaphore, #tpu.memory_space<semaphore_mem>>) src(%dma_wait3A_136 : memref<100001xf32, #tpu.memory_space<hbm>>) dst(%dma_wait3A_131 : memref<128xf32, #tpu.memory_space<vmem>>)
    %dma_wait3A_137 = arith.constant 3 : i32
    %dma_wait3A_138 = arith.constant 384 : i32
    %dma_wait3A_139 = tpu.memref_slice %arg11[%dma_wait3A_138] : memref<512xf32, #tpu.memory_space<vmem>> -> memref<128xf32, #tpu.memory_space<vmem>>
    %dma_wait3A_140 = arith.constant 0 : i32
    %dma_wait3A_141 = tpu.memref_slice %arg9[%dma_wait3A_137, %dma_wait3A_140] : memref<4x128xi32, #tpu.memory_space<vmem>> -> memref<1x128xi32, #tpu.memory_space<vmem>>
    %dma_wait3A_142 = tpu.memref_squeeze %dma_wait3A_141 : memref<1x128xi32, #tpu.memory_space<vmem>> -> memref<128xi32, #tpu.memory_space<vmem>>
    %dma_wait3A_143 = arith.constant 0 : i32
    %dma_wait3A_144 = tpu.memref_slice %arg2[%dma_wait3A_143] : memref<1048576xf32, #tpu.memory_space<hbm>> -> memref<1048576xf32, #tpu.memory_space<hbm>>
    tpu.wait_indirect_dma semaphore(%arg16 : memref<!tpu.dma_semaphore, #tpu.memory_space<semaphore_mem>>) src(%dma_wait3A_144 : memref<1048576xf32, #tpu.memory_space<hbm>>) dst(%dma_wait3A_139 : memref<128xf32, #tpu.memory_space<vmem>>)
    %dma_wait3A_145 = arith.constant 3 : i32
    %dma_wait3A_146 = arith.constant 384 : i32
    %dma_wait3A_147 = tpu.memref_slice %arg12[%dma_wait3A_146] : memref<512xf32, #tpu.memory_space<vmem>> -> memref<128xf32, #tpu.memory_space<vmem>>
    %dma_wait3A_148 = arith.constant 0 : i32
    %dma_wait3A_149 = tpu.memref_slice %arg10[%dma_wait3A_145, %dma_wait3A_148] : memref<4x128xi32, #tpu.memory_space<vmem>> -> memref<1x128xi32, #tpu.memory_space<vmem>>
    %dma_wait3A_150 = tpu.memref_squeeze %dma_wait3A_149 : memref<1x128xi32, #tpu.memory_space<vmem>> -> memref<128xi32, #tpu.memory_space<vmem>>
    %dma_wait3A_151 = arith.constant 0 : i32
    %dma_wait3A_152 = tpu.memref_slice %arg3[%dma_wait3A_151] : memref<100001xf32, #tpu.memory_space<hbm>> -> memref<100001xf32, #tpu.memory_space<hbm>>
    tpu.wait_indirect_dma semaphore(%arg16 : memref<!tpu.dma_semaphore, #tpu.memory_space<semaphore_mem>>) src(%dma_wait3A_152 : memref<100001xf32, #tpu.memory_space<hbm>>) dst(%dma_wait3A_147 : memref<128xf32, #tpu.memory_space<vmem>>)
    %get3A = arith.constant 16 : index
    %get3A_153 = tpu.vector_load %arg13[%get3A] {strides = array<i32>} : memref<128xf32, #tpu.memory_space<vmem>>, vector<16xf32>,
    %get3A_154 = arith.constant 0 : index
    %get3A_155 = tpu.vector_load %arg14[%get3A_154] {strides = array<i32>} : memref<16xf32, #tpu.memory_space<vmem>>, vector<16xf32>,
    %scan3A = arith.constant 0 : i32
    %scan3A_156 = arith.constant 0 : i32
    %scan3A_157 = arith.constant 32 : i32
    %scan3A_158 = arith.addi %scan3A_156, %scan3A_157 : i32
    %scan3A_159 = arith.constant 1 : i32
    scf.for %scan3A_161 = %scan3A_156 to %scan3A_158 step %scan3A_159  : i32 {
      %mul3A_162 = arith.constant 16 : i32
      %mul3A_163 = arith.muli %scan3A_161, %mul3A_162 : i32
      %get3A_164 = arith.index_cast %mul3A_163 : i32 to index
      %get3A_165 = tpu.vector_load %arg11[%get3A_164] {strides = array<i32>} : memref<512xf32, #tpu.memory_space<vmem>>, vector<16xf32>,
      %mul3A_166 = arith.constant 16 : i32
      %mul3A_167 = arith.muli %scan3A_161, %mul3A_166 : i32
      %get3A_168 = arith.index_cast %mul3A_167 : i32 to index
      %get3A_169 = tpu.vector_load %arg12[%get3A_168] {strides = array<i32>} : memref<512xf32, #tpu.memory_space<vmem>>, vector<16xf32>,
      %mul3A_170 = arith.mulf %get3A_153, %get3A_169 : vector<16xf32>
      %add3A_171 = arith.addf %get3A_165, %mul3A_170 : vector<16xf32>
      %add3A_172 = arith.addf %add3A_171, %get3A_155 : vector<16xf32>
      %neg3A = arith.constant 0.000000e+00 : f32
      %neg3A_173 = vector.broadcast %neg3A : f32 to vector<16xf32>
      %neg3A_174 = arith.subf %neg3A_173, %add3A_172 : vector<16xf32>
      %exp3A = math.exp %neg3A_174 : vector<16xf32>
      %add3A_175 = arith.constant 1.000000e+00 : f32
      %add3A_176 = vector.broadcast %add3A_175 : f32 to vector<16xf32>
      %add3A_177 = arith.addf %add3A_176, %exp3A : vector<16xf32>
      %div3A = arith.constant 1.000000e+00 : f32
      %div3A_178 = vector.broadcast %div3A : f32 to vector<16xf32>
      %div3A_179 = arith.divf %div3A_178, %add3A_177 : vector<16xf32>
      %mul3A_180 = arith.constant 16 : i32
      %mul3A_181 = arith.muli %scan3A_161, %mul3A_180 : i32
      %swap3A = arith.index_cast %mul3A_181 : i32 to index
      %swap3A_182 = tpu.vector_load %arg15[%swap3A] {strides = array<i32>} : memref<512xf32, #tpu.memory_space<vmem>>, vector<16xf32>,
      tpu.vector_store %arg15[%swap3A], %div3A_179 {strides = array<i32>} : memref<512xf32, #tpu.memory_space<vmem>>, vector<16xf32>,
    }
    %scan3A_160 = arith.constant 32 : i32
    "tpu.region"() ({
      %run_scoped3A_161 = tpu.sem_alloc : memref<!tpu.dma_semaphore, #tpu.memory_space<semaphore_mem>>
      %dma_start3A_162 = tpu.memref_slice %arg8[%mul3A_2] : memref<16384xf32, #tpu.memory_space<hbm>> -> memref<512xf32, #tpu.memory_space<hbm>>
      %dma_start3A_163 = tpu.memref_slice %arg8[%mul3A_2] : memref<16384xf32, #tpu.memory_space<hbm>> -> memref<512xf32, #tpu.memory_space<hbm>>
      tpu.enqueue_dma source(%arg15 : memref<512xf32, #tpu.memory_space<vmem>>) target(%dma_start3A_163 : memref<512xf32, #tpu.memory_space<hbm>>) target_semaphore(%run_scoped3A_161 : memref<!tpu.dma_semaphore, #tpu.memory_space<semaphore_mem>>)
      %dma_wait3A_164 = tpu.memref_slice %arg8[%mul3A_2] : memref<16384xf32, #tpu.memory_space<hbm>> -> memref<512xf32, #tpu.memory_space<hbm>>
      %dma_wait3A_165 = tpu.memref_slice %arg8[%mul3A_2] : memref<16384xf32, #tpu.memory_space<hbm>> -> memref<512xf32, #tpu.memory_space<hbm>>
      tpu.wait_dma2 semaphore(%run_scoped3A_161 : memref<!tpu.dma_semaphore, #tpu.memory_space<semaphore_mem>>) src(%arg15 : memref<512xf32, #tpu.memory_space<vmem>>) dst(%dma_wait3A_165 : memref<512xf32, #tpu.memory_space<hbm>>)
      tpu.yield
    }) : () -> ()
    return
  }
}

#map = affine_map<(d0, d1) -> (0)>
module attributes {stable_mosaic.version = 14 : i64} {
  func.func @_sc_scatter(%arg0: i32, %arg1: i32, %arg2: memref<16384xi32, #tpu.memory_space<hbm>>, %arg3: memref<16384xf32, #tpu.memory_space<hbm>>, %arg4: memref<200704xf32, #tpu.memory_space<hbm>>, %arg5: memref<4x128xi32, #tpu.memory_space<vmem>>, %arg6: memref<4x128xf32, #tpu.memory_space<vmem>>, %arg7: memref<6272xf32, #tpu.memory_space<vmem>>, %arg8: memref<100352xf32, #tpu.memory_space<vmem_shared>>) attributes {dimension_semantics = [#tpu.dimension_semantics<core_parallel>, #tpu.dimension_semantics<subcore_parallel>], iteration_bounds = array<i64: 2, 16>, scalar_prefetch = 0 : i64, scratch_operands = 4 : i64, tpu.core_type = #tpu.core_type<sc_vector_subcore>, window_params = [{transform_indices = #map}, {transform_indices = #map}, {transform_indices = #map}]} {
    %mul3A = arith.constant 2 : i32
    %mul3A_0 = arith.muli %arg1, %mul3A : i32
    %add3A = arith.addi %mul3A_0, %arg0 : i32
    %mul3A_1 = arith.constant 512 : i32
    %mul3A_2 = arith.muli %add3A, %mul3A_1 : i32
    %broadcast_in_dim3A = arith.constant 0.000000e+00 : f32
    %broadcast_in_dim3A_3 = vector.broadcast %broadcast_in_dim3A : f32 to vector<16xf32>
    %scan3A = arith.constant 0 : i32
    %scan3A_4 = arith.constant 0 : i32
    %scan3A_5 = arith.constant 49 : i32
    %scan3A_6 = arith.addi %scan3A_4, %scan3A_5 : i32
    %scan3A_7 = arith.constant 1 : i32
    scf.for %scan3A_50 = %scan3A_4 to %scan3A_6 step %scan3A_7  : i32 {
      %mul3A_51 = arith.constant 8 : i32
      %mul3A_52 = arith.muli %scan3A_50, %mul3A_51 : i32
      %add3A_53 = arith.constant 0 : i32
      %add3A_54 = arith.addi %mul3A_52, %add3A_53 : i32
      %mul3A_55 = arith.constant 16 : i32
      %mul3A_56 = arith.muli %add3A_54, %mul3A_55 : i32
      %swap3A = arith.index_cast %mul3A_56 : i32 to index
      %swap3A_57 = tpu.vector_load %arg7[%swap3A] {strides = array<i32>} : memref<6272xf32, #tpu.memory_space<vmem>>, vector<16xf32>,
      tpu.vector_store %arg7[%swap3A], %broadcast_in_dim3A_3 {strides = array<i32>} : memref<6272xf32, #tpu.memory_space<vmem>>, vector<16xf32>,
      %mul3A_58 = arith.constant 8 : i32
      %mul3A_59 = arith.muli %scan3A_50, %mul3A_58 : i32
      %add3A_60 = arith.constant 1 : i32
      %add3A_61 = arith.addi %mul3A_59, %add3A_60 : i32
      %mul3A_62 = arith.constant 16 : i32
      %mul3A_63 = arith.muli %add3A_61, %mul3A_62 : i32
      %swap3A_64 = arith.index_cast %mul3A_63 : i32 to index
      %swap3A_65 = tpu.vector_load %arg7[%swap3A_64] {strides = array<i32>} : memref<6272xf32, #tpu.memory_space<vmem>>, vector<16xf32>,
      tpu.vector_store %arg7[%swap3A_64], %broadcast_in_dim3A_3 {strides = array<i32>} : memref<6272xf32, #tpu.memory_space<vmem>>, vector<16xf32>,
      %mul3A_66 = arith.constant 8 : i32
      %mul3A_67 = arith.muli %scan3A_50, %mul3A_66 : i32
      %add3A_68 = arith.constant 2 : i32
      %add3A_69 = arith.addi %mul3A_67, %add3A_68 : i32
      %mul3A_70 = arith.constant 16 : i32
      %mul3A_71 = arith.muli %add3A_69, %mul3A_70 : i32
      %swap3A_72 = arith.index_cast %mul3A_71 : i32 to index
      %swap3A_73 = tpu.vector_load %arg7[%swap3A_72] {strides = array<i32>} : memref<6272xf32, #tpu.memory_space<vmem>>, vector<16xf32>,
      tpu.vector_store %arg7[%swap3A_72], %broadcast_in_dim3A_3 {strides = array<i32>} : memref<6272xf32, #tpu.memory_space<vmem>>, vector<16xf32>,
      %mul3A_74 = arith.constant 8 : i32
      %mul3A_75 = arith.muli %scan3A_50, %mul3A_74 : i32
      %add3A_76 = arith.constant 3 : i32
      %add3A_77 = arith.addi %mul3A_75, %add3A_76 : i32
      %mul3A_78 = arith.constant 16 : i32
      %mul3A_79 = arith.muli %add3A_77, %mul3A_78 : i32
      %swap3A_80 = arith.index_cast %mul3A_79 : i32 to index
      %swap3A_81 = tpu.vector_load %arg7[%swap3A_80] {strides = array<i32>} : memref<6272xf32, #tpu.memory_space<vmem>>, vector<16xf32>,
      tpu.vector_store %arg7[%swap3A_80], %broadcast_in_dim3A_3 {strides = array<i32>} : memref<6272xf32, #tpu.memory_space<vmem>>, vector<16xf32>,
      %mul3A_82 = arith.constant 8 : i32
      %mul3A_83 = arith.muli %scan3A_50, %mul3A_82 : i32
      %add3A_84 = arith.constant 4 : i32
      %add3A_85 = arith.addi %mul3A_83, %add3A_84 : i32
      %mul3A_86 = arith.constant 16 : i32
      %mul3A_87 = arith.muli %add3A_85, %mul3A_86 : i32
      %swap3A_88 = arith.index_cast %mul3A_87 : i32 to index
      %swap3A_89 = tpu.vector_load %arg7[%swap3A_88] {strides = array<i32>} : memref<6272xf32, #tpu.memory_space<vmem>>, vector<16xf32>,
      tpu.vector_store %arg7[%swap3A_88], %broadcast_in_dim3A_3 {strides = array<i32>} : memref<6272xf32, #tpu.memory_space<vmem>>, vector<16xf32>,
      %mul3A_90 = arith.constant 8 : i32
      %mul3A_91 = arith.muli %scan3A_50, %mul3A_90 : i32
      %add3A_92 = arith.constant 5 : i32
      %add3A_93 = arith.addi %mul3A_91, %add3A_92 : i32
      %mul3A_94 = arith.constant 16 : i32
      %mul3A_95 = arith.muli %add3A_93, %mul3A_94 : i32
      %swap3A_96 = arith.index_cast %mul3A_95 : i32 to index
      %swap3A_97 = tpu.vector_load %arg7[%swap3A_96] {strides = array<i32>} : memref<6272xf32, #tpu.memory_space<vmem>>, vector<16xf32>,
      tpu.vector_store %arg7[%swap3A_96], %broadcast_in_dim3A_3 {strides = array<i32>} : memref<6272xf32, #tpu.memory_space<vmem>>, vector<16xf32>,
      %mul3A_98 = arith.constant 8 : i32
      %mul3A_99 = arith.muli %scan3A_50, %mul3A_98 : i32
      %add3A_100 = arith.constant 6 : i32
      %add3A_101 = arith.addi %mul3A_99, %add3A_100 : i32
      %mul3A_102 = arith.constant 16 : i32
      %mul3A_103 = arith.muli %add3A_101, %mul3A_102 : i32
      %swap3A_104 = arith.index_cast %mul3A_103 : i32 to index
      %swap3A_105 = tpu.vector_load %arg7[%swap3A_104] {strides = array<i32>} : memref<6272xf32, #tpu.memory_space<vmem>>, vector<16xf32>,
      tpu.vector_store %arg7[%swap3A_104], %broadcast_in_dim3A_3 {strides = array<i32>} : memref<6272xf32, #tpu.memory_space<vmem>>, vector<16xf32>,
      %mul3A_106 = arith.constant 8 : i32
      %mul3A_107 = arith.muli %scan3A_50, %mul3A_106 : i32
      %add3A_108 = arith.constant 7 : i32
      %add3A_109 = arith.addi %mul3A_107, %add3A_108 : i32
      %mul3A_110 = arith.constant 16 : i32
      %mul3A_111 = arith.muli %add3A_109, %mul3A_110 : i32
      %swap3A_112 = arith.index_cast %mul3A_111 : i32 to index
      %swap3A_113 = tpu.vector_load %arg7[%swap3A_112] {strides = array<i32>} : memref<6272xf32, #tpu.memory_space<vmem>>, vector<16xf32>,
      tpu.vector_store %arg7[%swap3A_112], %broadcast_in_dim3A_3 {strides = array<i32>} : memref<6272xf32, #tpu.memory_space<vmem>>, vector<16xf32>,
    }
    %scan3A_8 = arith.constant 49 : i32
    %mul3A_9 = arith.constant 6272 : i32
    %mul3A_10 = arith.muli %arg1, %mul3A_9 : i32
    "tpu.region"() ({
      %run_scoped3A_50 = tpu.sem_alloc : memref<!tpu.dma_semaphore, #tpu.memory_space<semaphore_mem>>
      %dma_start3A = tpu.memref_slice %arg8[%mul3A_10] : memref<100352xf32, #tpu.memory_space<vmem_shared>> -> memref<6272xf32, #tpu.memory_space<vmem_shared>>
      %dma_start3A_51 = tpu.memref_slice %arg8[%mul3A_10] : memref<100352xf32, #tpu.memory_space<vmem_shared>> -> memref<6272xf32, #tpu.memory_space<vmem_shared>>
      tpu.enqueue_dma source(%arg7 : memref<6272xf32, #tpu.memory_space<vmem>>) target(%dma_start3A_51 : memref<6272xf32, #tpu.memory_space<vmem_shared>>) target_semaphore(%run_scoped3A_50 : memref<!tpu.dma_semaphore, #tpu.memory_space<semaphore_mem>>)
      %dma_wait3A = tpu.memref_slice %arg8[%mul3A_10] : memref<100352xf32, #tpu.memory_space<vmem_shared>> -> memref<6272xf32, #tpu.memory_space<vmem_shared>>
      %dma_wait3A_52 = tpu.memref_slice %arg8[%mul3A_10] : memref<100352xf32, #tpu.memory_space<vmem_shared>> -> memref<6272xf32, #tpu.memory_space<vmem_shared>>
      tpu.wait_dma2 semaphore(%run_scoped3A_50 : memref<!tpu.dma_semaphore, #tpu.memory_space<semaphore_mem>>) src(%arg7 : memref<6272xf32, #tpu.memory_space<vmem>>) dst(%dma_wait3A_52 : memref<6272xf32, #tpu.memory_space<vmem_shared>>)
      tpu.yield
    }) : () -> ()
    %barrier3A = arith.constant 0 : index
    tpu.barrier barrier_id(%barrier3A)
    %add3A_11 = arith.constant 0 : i32
    %add3A_12 = arith.addi %mul3A_2, %add3A_11 : i32
    %run_scoped3A = arith.constant 0 : i32
    "tpu.region"() ({
      %run_scoped3A_50 = tpu.sem_alloc : memref<!tpu.dma_semaphore, #tpu.memory_space<semaphore_mem>>
      %dma_start3A = arith.constant 0 : i32
      %dma_start3A_51 = tpu.memref_slice %arg5[%run_scoped3A, %dma_start3A] : memref<4x128xi32, #tpu.memory_space<vmem>> -> memref<1x128xi32, #tpu.memory_space<vmem>>
      %dma_start3A_52 = tpu.memref_squeeze %dma_start3A_51 : memref<1x128xi32, #tpu.memory_space<vmem>> -> memref<128xi32, #tpu.memory_space<vmem>>
      %dma_start3A_53 = tpu.memref_slice %arg2[%add3A_12] : memref<16384xi32, #tpu.memory_space<hbm>> -> memref<128xi32, #tpu.memory_space<hbm>>
      %dma_start3A_54 = arith.constant 0 : i32
      %dma_start3A_55 = tpu.memref_slice %arg5[%run_scoped3A, %dma_start3A_54] : memref<4x128xi32, #tpu.memory_space<vmem>> -> memref<1x128xi32, #tpu.memory_space<vmem>>
      %dma_start3A_56 = tpu.memref_squeeze %dma_start3A_55 : memref<1x128xi32, #tpu.memory_space<vmem>> -> memref<128xi32, #tpu.memory_space<vmem>>
      %dma_start3A_57 = tpu.memref_slice %arg2[%add3A_12] : memref<16384xi32, #tpu.memory_space<hbm>> -> memref<128xi32, #tpu.memory_space<hbm>>
      tpu.enqueue_dma source(%dma_start3A_57 : memref<128xi32, #tpu.memory_space<hbm>>) target(%dma_start3A_56 : memref<128xi32, #tpu.memory_space<vmem>>) target_semaphore(%run_scoped3A_50 : memref<!tpu.dma_semaphore, #tpu.memory_space<semaphore_mem>>)
      %dma_wait3A = arith.constant 0 : i32
      %dma_wait3A_58 = tpu.memref_slice %arg5[%run_scoped3A, %dma_wait3A] : memref<4x128xi32, #tpu.memory_space<vmem>> -> memref<1x128xi32, #tpu.memory_space<vmem>>
      %dma_wait3A_59 = tpu.memref_squeeze %dma_wait3A_58 : memref<1x128xi32, #tpu.memory_space<vmem>> -> memref<128xi32, #tpu.memory_space<vmem>>
      %dma_wait3A_60 = tpu.memref_slice %arg2[%add3A_12] : memref<16384xi32, #tpu.memory_space<hbm>> -> memref<128xi32, #tpu.memory_space<hbm>>
      %dma_wait3A_61 = arith.constant 0 : i32
      %dma_wait3A_62 = tpu.memref_slice %arg5[%run_scoped3A, %dma_wait3A_61] : memref<4x128xi32, #tpu.memory_space<vmem>> -> memref<1x128xi32, #tpu.memory_space<vmem>>
      %dma_wait3A_63 = tpu.memref_squeeze %dma_wait3A_62 : memref<1x128xi32, #tpu.memory_space<vmem>> -> memref<128xi32, #tpu.memory_space<vmem>>
      %dma_wait3A_64 = tpu.memref_slice %arg2[%add3A_12] : memref<16384xi32, #tpu.memory_space<hbm>> -> memref<128xi32, #tpu.memory_space<hbm>>
      tpu.wait_dma2 semaphore(%run_scoped3A_50 : memref<!tpu.dma_semaphore, #tpu.memory_space<semaphore_mem>>) src(%dma_wait3A_64 : memref<128xi32, #tpu.memory_space<hbm>>) dst(%dma_wait3A_63 : memref<128xi32, #tpu.memory_space<vmem>>)
      tpu.yield
    }) : () -> ()
    %add3A_13 = arith.constant 0 : i32
    %add3A_14 = arith.addi %mul3A_2, %add3A_13 : i32
    %run_scoped3A_15 = arith.constant 0 : i32
    "tpu.region"() ({
      %run_scoped3A_50 = tpu.sem_alloc : memref<!tpu.dma_semaphore, #tpu.memory_space<semaphore_mem>>
      %dma_start3A = arith.constant 0 : i32
      %dma_start3A_51 = tpu.memref_slice %arg6[%run_scoped3A_15, %dma_start3A] : memref<4x128xf32, #tpu.memory_space<vmem>> -> memref<1x128xf32, #tpu.memory_space<vmem>>
      %dma_start3A_52 = tpu.memref_squeeze %dma_start3A_51 : memref<1x128xf32, #tpu.memory_space<vmem>> -> memref<128xf32, #tpu.memory_space<vmem>>
      %dma_start3A_53 = tpu.memref_slice %arg3[%add3A_14] : memref<16384xf32, #tpu.memory_space<hbm>> -> memref<128xf32, #tpu.memory_space<hbm>>
      %dma_start3A_54 = arith.constant 0 : i32
      %dma_start3A_55 = tpu.memref_slice %arg6[%run_scoped3A_15, %dma_start3A_54] : memref<4x128xf32, #tpu.memory_space<vmem>> -> memref<1x128xf32, #tpu.memory_space<vmem>>
      %dma_start3A_56 = tpu.memref_squeeze %dma_start3A_55 : memref<1x128xf32, #tpu.memory_space<vmem>> -> memref<128xf32, #tpu.memory_space<vmem>>
      %dma_start3A_57 = tpu.memref_slice %arg3[%add3A_14] : memref<16384xf32, #tpu.memory_space<hbm>> -> memref<128xf32, #tpu.memory_space<hbm>>
      tpu.enqueue_dma source(%dma_start3A_57 : memref<128xf32, #tpu.memory_space<hbm>>) target(%dma_start3A_56 : memref<128xf32, #tpu.memory_space<vmem>>) target_semaphore(%run_scoped3A_50 : memref<!tpu.dma_semaphore, #tpu.memory_space<semaphore_mem>>)
      %dma_wait3A = arith.constant 0 : i32
      %dma_wait3A_58 = tpu.memref_slice %arg6[%run_scoped3A_15, %dma_wait3A] : memref<4x128xf32, #tpu.memory_space<vmem>> -> memref<1x128xf32, #tpu.memory_space<vmem>>
      %dma_wait3A_59 = tpu.memref_squeeze %dma_wait3A_58 : memref<1x128xf32, #tpu.memory_space<vmem>> -> memref<128xf32, #tpu.memory_space<vmem>>
      %dma_wait3A_60 = tpu.memref_slice %arg3[%add3A_14] : memref<16384xf32, #tpu.memory_space<hbm>> -> memref<128xf32, #tpu.memory_space<hbm>>
      %dma_wait3A_61 = arith.constant 0 : i32
      %dma_wait3A_62 = tpu.memref_slice %arg6[%run_scoped3A_15, %dma_wait3A_61] : memref<4x128xf32, #tpu.memory_space<vmem>> -> memref<1x128xf32, #tpu.memory_space<vmem>>
      %dma_wait3A_63 = tpu.memref_squeeze %dma_wait3A_62 : memref<1x128xf32, #tpu.memory_space<vmem>> -> memref<128xf32, #tpu.memory_space<vmem>>
      %dma_wait3A_64 = tpu.memref_slice %arg3[%add3A_14] : memref<16384xf32, #tpu.memory_space<hbm>> -> memref<128xf32, #tpu.memory_space<hbm>>
      tpu.wait_dma2 semaphore(%run_scoped3A_50 : memref<!tpu.dma_semaphore, #tpu.memory_space<semaphore_mem>>) src(%dma_wait3A_64 : memref<128xf32, #tpu.memory_space<hbm>>) dst(%dma_wait3A_63 : memref<128xf32, #tpu.memory_space<vmem>>)
      tpu.yield
    }) : () -> ()
    %run_scoped3A_16 = arith.constant 0 : i32
    %run_scoped3A_17 = arith.constant 0 : i32
    "tpu.region"() ({
      %run_scoped3A_50 = tpu.sem_alloc : memref<!tpu.dma_semaphore, #tpu.memory_space<semaphore_mem>>
      %dma_start3A = arith.constant 0 : i32
      %dma_start3A_51 = tpu.memref_slice %arg6[%run_scoped3A_16, %dma_start3A] : memref<4x128xf32, #tpu.memory_space<vmem>> -> memref<1x128xf32, #tpu.memory_space<vmem>>
      %dma_start3A_52 = tpu.memref_squeeze %dma_start3A_51 : memref<1x128xf32, #tpu.memory_space<vmem>> -> memref<128xf32, #tpu.memory_space<vmem>>
      %dma_start3A_53 = arith.constant 0 : i32
      %dma_start3A_54 = tpu.memref_slice %arg5[%run_scoped3A_17, %dma_start3A_53] : memref<4x128xi32, #tpu.memory_space<vmem>> -> memref<1x128xi32, #tpu.memory_space<vmem>>
      %dma_start3A_55 = tpu.memref_squeeze %dma_start3A_54 : memref<1x128xi32, #tpu.memory_space<vmem>> -> memref<128xi32, #tpu.memory_space<vmem>>
      %dma_start3A_56 = arith.constant 0 : i32
      %dma_start3A_57 = tpu.memref_slice %arg8[%dma_start3A_56] : memref<100352xf32, #tpu.memory_space<vmem_shared>> -> memref<100352xf32, #tpu.memory_space<vmem_shared>>
      tpu.enqueue_indirect_dma source(%dma_start3A_52 : memref<128xf32, #tpu.memory_space<vmem>>) target(%dma_start3A_57 : memref<100352xf32, #tpu.memory_space<vmem_shared>>) offsets(%dma_start3A_55 : memref<128xi32, #tpu.memory_space<vmem>>) semaphore(%run_scoped3A_50 : memref<!tpu.dma_semaphore, #tpu.memory_space<semaphore_mem>>) {add = true}
      %dma_wait3A = arith.constant 0 : i32
      %dma_wait3A_58 = tpu.memref_slice %arg6[%run_scoped3A_16, %dma_wait3A] : memref<4x128xf32, #tpu.memory_space<vmem>> -> memref<1x128xf32, #tpu.memory_space<vmem>>
      %dma_wait3A_59 = tpu.memref_squeeze %dma_wait3A_58 : memref<1x128xf32, #tpu.memory_space<vmem>> -> memref<128xf32, #tpu.memory_space<vmem>>
      %dma_wait3A_60 = arith.constant 0 : i32
      %dma_wait3A_61 = tpu.memref_slice %arg5[%run_scoped3A_17, %dma_wait3A_60] : memref<4x128xi32, #tpu.memory_space<vmem>> -> memref<1x128xi32, #tpu.memory_space<vmem>>
      %dma_wait3A_62 = tpu.memref_squeeze %dma_wait3A_61 : memref<1x128xi32, #tpu.memory_space<vmem>> -> memref<128xi32, #tpu.memory_space<vmem>>
      %dma_wait3A_63 = arith.constant 0 : i32
      %dma_wait3A_64 = tpu.memref_slice %arg8[%dma_wait3A_63] : memref<100352xf32, #tpu.memory_space<vmem_shared>> -> memref<100352xf32, #tpu.memory_space<vmem_shared>>
      tpu.wait_indirect_dma semaphore(%run_scoped3A_50 : memref<!tpu.dma_semaphore, #tpu.memory_space<semaphore_mem>>) src(%dma_wait3A_59 : memref<128xf32, #tpu.memory_space<vmem>>) dst(%dma_wait3A_64 : memref<100352xf32, #tpu.memory_space<vmem_shared>>)
      tpu.yield
    }) : () -> ()
    %add3A_18 = arith.constant 128 : i32
    %add3A_19 = arith.addi %mul3A_2, %add3A_18 : i32
    %run_scoped3A_20 = arith.constant 1 : i32
    "tpu.region"() ({
      %run_scoped3A_50 = tpu.sem_alloc : memref<!tpu.dma_semaphore, #tpu.memory_space<semaphore_mem>>
      %dma_start3A = arith.constant 0 : i32
      %dma_start3A_51 = tpu.memref_slice %arg5[%run_scoped3A_20, %dma_start3A] : memref<4x128xi32, #tpu.memory_space<vmem>> -> memref<1x128xi32, #tpu.memory_space<vmem>>
      %dma_start3A_52 = tpu.memref_squeeze %dma_start3A_51 : memref<1x128xi32, #tpu.memory_space<vmem>> -> memref<128xi32, #tpu.memory_space<vmem>>
      %dma_start3A_53 = tpu.memref_slice %arg2[%add3A_19] : memref<16384xi32, #tpu.memory_space<hbm>> -> memref<128xi32, #tpu.memory_space<hbm>>
      %dma_start3A_54 = arith.constant 0 : i32
      %dma_start3A_55 = tpu.memref_slice %arg5[%run_scoped3A_20, %dma_start3A_54] : memref<4x128xi32, #tpu.memory_space<vmem>> -> memref<1x128xi32, #tpu.memory_space<vmem>>
      %dma_start3A_56 = tpu.memref_squeeze %dma_start3A_55 : memref<1x128xi32, #tpu.memory_space<vmem>> -> memref<128xi32, #tpu.memory_space<vmem>>
      %dma_start3A_57 = tpu.memref_slice %arg2[%add3A_19] : memref<16384xi32, #tpu.memory_space<hbm>> -> memref<128xi32, #tpu.memory_space<hbm>>
      tpu.enqueue_dma source(%dma_start3A_57 : memref<128xi32, #tpu.memory_space<hbm>>) target(%dma_start3A_56 : memref<128xi32, #tpu.memory_space<vmem>>) target_semaphore(%run_scoped3A_50 : memref<!tpu.dma_semaphore, #tpu.memory_space<semaphore_mem>>)
      %dma_wait3A = arith.constant 0 : i32
      %dma_wait3A_58 = tpu.memref_slice %arg5[%run_scoped3A_20, %dma_wait3A] : memref<4x128xi32, #tpu.memory_space<vmem>> -> memref<1x128xi32, #tpu.memory_space<vmem>>
      %dma_wait3A_59 = tpu.memref_squeeze %dma_wait3A_58 : memref<1x128xi32, #tpu.memory_space<vmem>> -> memref<128xi32, #tpu.memory_space<vmem>>
      %dma_wait3A_60 = tpu.memref_slice %arg2[%add3A_19] : memref<16384xi32, #tpu.memory_space<hbm>> -> memref<128xi32, #tpu.memory_space<hbm>>
      %dma_wait3A_61 = arith.constant 0 : i32
      %dma_wait3A_62 = tpu.memref_slice %arg5[%run_scoped3A_20, %dma_wait3A_61] : memref<4x128xi32, #tpu.memory_space<vmem>> -> memref<1x128xi32, #tpu.memory_space<vmem>>
      %dma_wait3A_63 = tpu.memref_squeeze %dma_wait3A_62 : memref<1x128xi32, #tpu.memory_space<vmem>> -> memref<128xi32, #tpu.memory_space<vmem>>
      %dma_wait3A_64 = tpu.memref_slice %arg2[%add3A_19] : memref<16384xi32, #tpu.memory_space<hbm>> -> memref<128xi32, #tpu.memory_space<hbm>>
      tpu.wait_dma2 semaphore(%run_scoped3A_50 : memref<!tpu.dma_semaphore, #tpu.memory_space<semaphore_mem>>) src(%dma_wait3A_64 : memref<128xi32, #tpu.memory_space<hbm>>) dst(%dma_wait3A_63 : memref<128xi32, #tpu.memory_space<vmem>>)
      tpu.yield
    }) : () -> ()
    %add3A_21 = arith.constant 128 : i32
    %add3A_22 = arith.addi %mul3A_2, %add3A_21 : i32
    %run_scoped3A_23 = arith.constant 1 : i32
    "tpu.region"() ({
      %run_scoped3A_50 = tpu.sem_alloc : memref<!tpu.dma_semaphore, #tpu.memory_space<semaphore_mem>>
      %dma_start3A = arith.constant 0 : i32
      %dma_start3A_51 = tpu.memref_slice %arg6[%run_scoped3A_23, %dma_start3A] : memref<4x128xf32, #tpu.memory_space<vmem>> -> memref<1x128xf32, #tpu.memory_space<vmem>>
      %dma_start3A_52 = tpu.memref_squeeze %dma_start3A_51 : memref<1x128xf32, #tpu.memory_space<vmem>> -> memref<128xf32, #tpu.memory_space<vmem>>
      %dma_start3A_53 = tpu.memref_slice %arg3[%add3A_22] : memref<16384xf32, #tpu.memory_space<hbm>> -> memref<128xf32, #tpu.memory_space<hbm>>
      %dma_start3A_54 = arith.constant 0 : i32
      %dma_start3A_55 = tpu.memref_slice %arg6[%run_scoped3A_23, %dma_start3A_54] : memref<4x128xf32, #tpu.memory_space<vmem>> -> memref<1x128xf32, #tpu.memory_space<vmem>>
      %dma_start3A_56 = tpu.memref_squeeze %dma_start3A_55 : memref<1x128xf32, #tpu.memory_space<vmem>> -> memref<128xf32, #tpu.memory_space<vmem>>
      %dma_start3A_57 = tpu.memref_slice %arg3[%add3A_22] : memref<16384xf32, #tpu.memory_space<hbm>> -> memref<128xf32, #tpu.memory_space<hbm>>
      tpu.enqueue_dma source(%dma_start3A_57 : memref<128xf32, #tpu.memory_space<hbm>>) target(%dma_start3A_56 : memref<128xf32, #tpu.memory_space<vmem>>) target_semaphore(%run_scoped3A_50 : memref<!tpu.dma_semaphore, #tpu.memory_space<semaphore_mem>>)
      %dma_wait3A = arith.constant 0 : i32
      %dma_wait3A_58 = tpu.memref_slice %arg6[%run_scoped3A_23, %dma_wait3A] : memref<4x128xf32, #tpu.memory_space<vmem>> -> memref<1x128xf32, #tpu.memory_space<vmem>>
      %dma_wait3A_59 = tpu.memref_squeeze %dma_wait3A_58 : memref<1x128xf32, #tpu.memory_space<vmem>> -> memref<128xf32, #tpu.memory_space<vmem>>
      %dma_wait3A_60 = tpu.memref_slice %arg3[%add3A_22] : memref<16384xf32, #tpu.memory_space<hbm>> -> memref<128xf32, #tpu.memory_space<hbm>>
      %dma_wait3A_61 = arith.constant 0 : i32
      %dma_wait3A_62 = tpu.memref_slice %arg6[%run_scoped3A_23, %dma_wait3A_61] : memref<4x128xf32, #tpu.memory_space<vmem>> -> memref<1x128xf32, #tpu.memory_space<vmem>>
      %dma_wait3A_63 = tpu.memref_squeeze %dma_wait3A_62 : memref<1x128xf32, #tpu.memory_space<vmem>> -> memref<128xf32, #tpu.memory_space<vmem>>
      %dma_wait3A_64 = tpu.memref_slice %arg3[%add3A_22] : memref<16384xf32, #tpu.memory_space<hbm>> -> memref<128xf32, #tpu.memory_space<hbm>>
      tpu.wait_dma2 semaphore(%run_scoped3A_50 : memref<!tpu.dma_semaphore, #tpu.memory_space<semaphore_mem>>) src(%dma_wait3A_64 : memref<128xf32, #tpu.memory_space<hbm>>) dst(%dma_wait3A_63 : memref<128xf32, #tpu.memory_space<vmem>>)
      tpu.yield
    }) : () -> ()
    %run_scoped3A_24 = arith.constant 1 : i32
    %run_scoped3A_25 = arith.constant 1 : i32
    "tpu.region"() ({
      %run_scoped3A_50 = tpu.sem_alloc : memref<!tpu.dma_semaphore, #tpu.memory_space<semaphore_mem>>
      %dma_start3A = arith.constant 0 : i32
      %dma_start3A_51 = tpu.memref_slice %arg6[%run_scoped3A_24, %dma_start3A] : memref<4x128xf32, #tpu.memory_space<vmem>> -> memref<1x128xf32, #tpu.memory_space<vmem>>
      %dma_start3A_52 = tpu.memref_squeeze %dma_start3A_51 : memref<1x128xf32, #tpu.memory_space<vmem>> -> memref<128xf32, #tpu.memory_space<vmem>>
      %dma_start3A_53 = arith.constant 0 : i32
      %dma_start3A_54 = tpu.memref_slice %arg5[%run_scoped3A_25, %dma_start3A_53] : memref<4x128xi32, #tpu.memory_space<vmem>> -> memref<1x128xi32, #tpu.memory_space<vmem>>
      %dma_start3A_55 = tpu.memref_squeeze %dma_start3A_54 : memref<1x128xi32, #tpu.memory_space<vmem>> -> memref<128xi32, #tpu.memory_space<vmem>>
      %dma_start3A_56 = arith.constant 0 : i32
      %dma_start3A_57 = tpu.memref_slice %arg8[%dma_start3A_56] : memref<100352xf32, #tpu.memory_space<vmem_shared>> -> memref<100352xf32, #tpu.memory_space<vmem_shared>>
      tpu.enqueue_indirect_dma source(%dma_start3A_52 : memref<128xf32, #tpu.memory_space<vmem>>) target(%dma_start3A_57 : memref<100352xf32, #tpu.memory_space<vmem_shared>>) offsets(%dma_start3A_55 : memref<128xi32, #tpu.memory_space<vmem>>) semaphore(%run_scoped3A_50 : memref<!tpu.dma_semaphore, #tpu.memory_space<semaphore_mem>>) {add = true}
      %dma_wait3A = arith.constant 0 : i32
      %dma_wait3A_58 = tpu.memref_slice %arg6[%run_scoped3A_24, %dma_wait3A] : memref<4x128xf32, #tpu.memory_space<vmem>> -> memref<1x128xf32, #tpu.memory_space<vmem>>
      %dma_wait3A_59 = tpu.memref_squeeze %dma_wait3A_58 : memref<1x128xf32, #tpu.memory_space<vmem>> -> memref<128xf32, #tpu.memory_space<vmem>>
      %dma_wait3A_60 = arith.constant 0 : i32
      %dma_wait3A_61 = tpu.memref_slice %arg5[%run_scoped3A_25, %dma_wait3A_60] : memref<4x128xi32, #tpu.memory_space<vmem>> -> memref<1x128xi32, #tpu.memory_space<vmem>>
      %dma_wait3A_62 = tpu.memref_squeeze %dma_wait3A_61 : memref<1x128xi32, #tpu.memory_space<vmem>> -> memref<128xi32, #tpu.memory_space<vmem>>
      %dma_wait3A_63 = arith.constant 0 : i32
      %dma_wait3A_64 = tpu.memref_slice %arg8[%dma_wait3A_63] : memref<100352xf32, #tpu.memory_space<vmem_shared>> -> memref<100352xf32, #tpu.memory_space<vmem_shared>>
      tpu.wait_indirect_dma semaphore(%run_scoped3A_50 : memref<!tpu.dma_semaphore, #tpu.memory_space<semaphore_mem>>) src(%dma_wait3A_59 : memref<128xf32, #tpu.memory_space<vmem>>) dst(%dma_wait3A_64 : memref<100352xf32, #tpu.memory_space<vmem_shared>>)
      tpu.yield
    }) : () -> ()
    %add3A_26 = arith.constant 256 : i32
    %add3A_27 = arith.addi %mul3A_2, %add3A_26 : i32
    %run_scoped3A_28 = arith.constant 2 : i32
    "tpu.region"() ({
      %run_scoped3A_50 = tpu.sem_alloc : memref<!tpu.dma_semaphore, #tpu.memory_space<semaphore_mem>>
      %dma_start3A = arith.constant 0 : i32
      %dma_start3A_51 = tpu.memref_slice %arg5[%run_scoped3A_28, %dma_start3A] : memref<4x128xi32, #tpu.memory_space<vmem>> -> memref<1x128xi32, #tpu.memory_space<vmem>>
      %dma_start3A_52 = tpu.memref_squeeze %dma_start3A_51 : memref<1x128xi32, #tpu.memory_space<vmem>> -> memref<128xi32, #tpu.memory_space<vmem>>
      %dma_start3A_53 = tpu.memref_slice %arg2[%add3A_27] : memref<16384xi32, #tpu.memory_space<hbm>> -> memref<128xi32, #tpu.memory_space<hbm>>
      %dma_start3A_54 = arith.constant 0 : i32
      %dma_start3A_55 = tpu.memref_slice %arg5[%run_scoped3A_28, %dma_start3A_54] : memref<4x128xi32, #tpu.memory_space<vmem>> -> memref<1x128xi32, #tpu.memory_space<vmem>>
      %dma_start3A_56 = tpu.memref_squeeze %dma_start3A_55 : memref<1x128xi32, #tpu.memory_space<vmem>> -> memref<128xi32, #tpu.memory_space<vmem>>
      %dma_start3A_57 = tpu.memref_slice %arg2[%add3A_27] : memref<16384xi32, #tpu.memory_space<hbm>> -> memref<128xi32, #tpu.memory_space<hbm>>
      tpu.enqueue_dma source(%dma_start3A_57 : memref<128xi32, #tpu.memory_space<hbm>>) target(%dma_start3A_56 : memref<128xi32, #tpu.memory_space<vmem>>) target_semaphore(%run_scoped3A_50 : memref<!tpu.dma_semaphore, #tpu.memory_space<semaphore_mem>>)
      %dma_wait3A = arith.constant 0 : i32
      %dma_wait3A_58 = tpu.memref_slice %arg5[%run_scoped3A_28, %dma_wait3A] : memref<4x128xi32, #tpu.memory_space<vmem>> -> memref<1x128xi32, #tpu.memory_space<vmem>>
      %dma_wait3A_59 = tpu.memref_squeeze %dma_wait3A_58 : memref<1x128xi32, #tpu.memory_space<vmem>> -> memref<128xi32, #tpu.memory_space<vmem>>
      %dma_wait3A_60 = tpu.memref_slice %arg2[%add3A_27] : memref<16384xi32, #tpu.memory_space<hbm>> -> memref<128xi32, #tpu.memory_space<hbm>>
      %dma_wait3A_61 = arith.constant 0 : i32
      %dma_wait3A_62 = tpu.memref_slice %arg5[%run_scoped3A_28, %dma_wait3A_61] : memref<4x128xi32, #tpu.memory_space<vmem>> -> memref<1x128xi32, #tpu.memory_space<vmem>>
      %dma_wait3A_63 = tpu.memref_squeeze %dma_wait3A_62 : memref<1x128xi32, #tpu.memory_space<vmem>> -> memref<128xi32, #tpu.memory_space<vmem>>
      %dma_wait3A_64 = tpu.memref_slice %arg2[%add3A_27] : memref<16384xi32, #tpu.memory_space<hbm>> -> memref<128xi32, #tpu.memory_space<hbm>>
      tpu.wait_dma2 semaphore(%run_scoped3A_50 : memref<!tpu.dma_semaphore, #tpu.memory_space<semaphore_mem>>) src(%dma_wait3A_64 : memref<128xi32, #tpu.memory_space<hbm>>) dst(%dma_wait3A_63 : memref<128xi32, #tpu.memory_space<vmem>>)
      tpu.yield
    }) : () -> ()
    %add3A_29 = arith.constant 256 : i32
    %add3A_30 = arith.addi %mul3A_2, %add3A_29 : i32
    %run_scoped3A_31 = arith.constant 2 : i32
    "tpu.region"() ({
      %run_scoped3A_50 = tpu.sem_alloc : memref<!tpu.dma_semaphore, #tpu.memory_space<semaphore_mem>>
      %dma_start3A = arith.constant 0 : i32
      %dma_start3A_51 = tpu.memref_slice %arg6[%run_scoped3A_31, %dma_start3A] : memref<4x128xf32, #tpu.memory_space<vmem>> -> memref<1x128xf32, #tpu.memory_space<vmem>>
      %dma_start3A_52 = tpu.memref_squeeze %dma_start3A_51 : memref<1x128xf32, #tpu.memory_space<vmem>> -> memref<128xf32, #tpu.memory_space<vmem>>
      %dma_start3A_53 = tpu.memref_slice %arg3[%add3A_30] : memref<16384xf32, #tpu.memory_space<hbm>> -> memref<128xf32, #tpu.memory_space<hbm>>
      %dma_start3A_54 = arith.constant 0 : i32
      %dma_start3A_55 = tpu.memref_slice %arg6[%run_scoped3A_31, %dma_start3A_54] : memref<4x128xf32, #tpu.memory_space<vmem>> -> memref<1x128xf32, #tpu.memory_space<vmem>>
      %dma_start3A_56 = tpu.memref_squeeze %dma_start3A_55 : memref<1x128xf32, #tpu.memory_space<vmem>> -> memref<128xf32, #tpu.memory_space<vmem>>
      %dma_start3A_57 = tpu.memref_slice %arg3[%add3A_30] : memref<16384xf32, #tpu.memory_space<hbm>> -> memref<128xf32, #tpu.memory_space<hbm>>
      tpu.enqueue_dma source(%dma_start3A_57 : memref<128xf32, #tpu.memory_space<hbm>>) target(%dma_start3A_56 : memref<128xf32, #tpu.memory_space<vmem>>) target_semaphore(%run_scoped3A_50 : memref<!tpu.dma_semaphore, #tpu.memory_space<semaphore_mem>>)
      %dma_wait3A = arith.constant 0 : i32
      %dma_wait3A_58 = tpu.memref_slice %arg6[%run_scoped3A_31, %dma_wait3A] : memref<4x128xf32, #tpu.memory_space<vmem>> -> memref<1x128xf32, #tpu.memory_space<vmem>>
      %dma_wait3A_59 = tpu.memref_squeeze %dma_wait3A_58 : memref<1x128xf32, #tpu.memory_space<vmem>> -> memref<128xf32, #tpu.memory_space<vmem>>
      %dma_wait3A_60 = tpu.memref_slice %arg3[%add3A_30] : memref<16384xf32, #tpu.memory_space<hbm>> -> memref<128xf32, #tpu.memory_space<hbm>>
      %dma_wait3A_61 = arith.constant 0 : i32
      %dma_wait3A_62 = tpu.memref_slice %arg6[%run_scoped3A_31, %dma_wait3A_61] : memref<4x128xf32, #tpu.memory_space<vmem>> -> memref<1x128xf32, #tpu.memory_space<vmem>>
      %dma_wait3A_63 = tpu.memref_squeeze %dma_wait3A_62 : memref<1x128xf32, #tpu.memory_space<vmem>> -> memref<128xf32, #tpu.memory_space<vmem>>
      %dma_wait3A_64 = tpu.memref_slice %arg3[%add3A_30] : memref<16384xf32, #tpu.memory_space<hbm>> -> memref<128xf32, #tpu.memory_space<hbm>>
      tpu.wait_dma2 semaphore(%run_scoped3A_50 : memref<!tpu.dma_semaphore, #tpu.memory_space<semaphore_mem>>) src(%dma_wait3A_64 : memref<128xf32, #tpu.memory_space<hbm>>) dst(%dma_wait3A_63 : memref<128xf32, #tpu.memory_space<vmem>>)
      tpu.yield
    }) : () -> ()
    %run_scoped3A_32 = arith.constant 2 : i32
    %run_scoped3A_33 = arith.constant 2 : i32
    "tpu.region"() ({
      %run_scoped3A_50 = tpu.sem_alloc : memref<!tpu.dma_semaphore, #tpu.memory_space<semaphore_mem>>
      %dma_start3A = arith.constant 0 : i32
      %dma_start3A_51 = tpu.memref_slice %arg6[%run_scoped3A_32, %dma_start3A] : memref<4x128xf32, #tpu.memory_space<vmem>> -> memref<1x128xf32, #tpu.memory_space<vmem>>
      %dma_start3A_52 = tpu.memref_squeeze %dma_start3A_51 : memref<1x128xf32, #tpu.memory_space<vmem>> -> memref<128xf32, #tpu.memory_space<vmem>>
      %dma_start3A_53 = arith.constant 0 : i32
      %dma_start3A_54 = tpu.memref_slice %arg5[%run_scoped3A_33, %dma_start3A_53] : memref<4x128xi32, #tpu.memory_space<vmem>> -> memref<1x128xi32, #tpu.memory_space<vmem>>
      %dma_start3A_55 = tpu.memref_squeeze %dma_start3A_54 : memref<1x128xi32, #tpu.memory_space<vmem>> -> memref<128xi32, #tpu.memory_space<vmem>>
      %dma_start3A_56 = arith.constant 0 : i32
      %dma_start3A_57 = tpu.memref_slice %arg8[%dma_start3A_56] : memref<100352xf32, #tpu.memory_space<vmem_shared>> -> memref<100352xf32, #tpu.memory_space<vmem_shared>>
      tpu.enqueue_indirect_dma source(%dma_start3A_52 : memref<128xf32, #tpu.memory_space<vmem>>) target(%dma_start3A_57 : memref<100352xf32, #tpu.memory_space<vmem_shared>>) offsets(%dma_start3A_55 : memref<128xi32, #tpu.memory_space<vmem>>) semaphore(%run_scoped3A_50 : memref<!tpu.dma_semaphore, #tpu.memory_space<semaphore_mem>>) {add = true}
      %dma_wait3A = arith.constant 0 : i32
      %dma_wait3A_58 = tpu.memref_slice %arg6[%run_scoped3A_32, %dma_wait3A] : memref<4x128xf32, #tpu.memory_space<vmem>> -> memref<1x128xf32, #tpu.memory_space<vmem>>
      %dma_wait3A_59 = tpu.memref_squeeze %dma_wait3A_58 : memref<1x128xf32, #tpu.memory_space<vmem>> -> memref<128xf32, #tpu.memory_space<vmem>>
      %dma_wait3A_60 = arith.constant 0 : i32
      %dma_wait3A_61 = tpu.memref_slice %arg5[%run_scoped3A_33, %dma_wait3A_60] : memref<4x128xi32, #tpu.memory_space<vmem>> -> memref<1x128xi32, #tpu.memory_space<vmem>>
      %dma_wait3A_62 = tpu.memref_squeeze %dma_wait3A_61 : memref<1x128xi32, #tpu.memory_space<vmem>> -> memref<128xi32, #tpu.memory_space<vmem>>
      %dma_wait3A_63 = arith.constant 0 : i32
      %dma_wait3A_64 = tpu.memref_slice %arg8[%dma_wait3A_63] : memref<100352xf32, #tpu.memory_space<vmem_shared>> -> memref<100352xf32, #tpu.memory_space<vmem_shared>>
      tpu.wait_indirect_dma semaphore(%run_scoped3A_50 : memref<!tpu.dma_semaphore, #tpu.memory_space<semaphore_mem>>) src(%dma_wait3A_59 : memref<128xf32, #tpu.memory_space<vmem>>) dst(%dma_wait3A_64 : memref<100352xf32, #tpu.memory_space<vmem_shared>>)
      tpu.yield
    }) : () -> ()
    %add3A_34 = arith.constant 384 : i32
    %add3A_35 = arith.addi %mul3A_2, %add3A_34 : i32
    %run_scoped3A_36 = arith.constant 3 : i32
    "tpu.region"() ({
      %run_scoped3A_50 = tpu.sem_alloc : memref<!tpu.dma_semaphore, #tpu.memory_space<semaphore_mem>>
      %dma_start3A = arith.constant 0 : i32
      %dma_start3A_51 = tpu.memref_slice %arg5[%run_scoped3A_36, %dma_start3A] : memref<4x128xi32, #tpu.memory_space<vmem>> -> memref<1x128xi32, #tpu.memory_space<vmem>>
      %dma_start3A_52 = tpu.memref_squeeze %dma_start3A_51 : memref<1x128xi32, #tpu.memory_space<vmem>> -> memref<128xi32, #tpu.memory_space<vmem>>
      %dma_start3A_53 = tpu.memref_slice %arg2[%add3A_35] : memref<16384xi32, #tpu.memory_space<hbm>> -> memref<128xi32, #tpu.memory_space<hbm>>
      %dma_start3A_54 = arith.constant 0 : i32
      %dma_start3A_55 = tpu.memref_slice %arg5[%run_scoped3A_36, %dma_start3A_54] : memref<4x128xi32, #tpu.memory_space<vmem>> -> memref<1x128xi32, #tpu.memory_space<vmem>>
      %dma_start3A_56 = tpu.memref_squeeze %dma_start3A_55 : memref<1x128xi32, #tpu.memory_space<vmem>> -> memref<128xi32, #tpu.memory_space<vmem>>
      %dma_start3A_57 = tpu.memref_slice %arg2[%add3A_35] : memref<16384xi32, #tpu.memory_space<hbm>> -> memref<128xi32, #tpu.memory_space<hbm>>
      tpu.enqueue_dma source(%dma_start3A_57 : memref<128xi32, #tpu.memory_space<hbm>>) target(%dma_start3A_56 : memref<128xi32, #tpu.memory_space<vmem>>) target_semaphore(%run_scoped3A_50 : memref<!tpu.dma_semaphore, #tpu.memory_space<semaphore_mem>>)
      %dma_wait3A = arith.constant 0 : i32
      %dma_wait3A_58 = tpu.memref_slice %arg5[%run_scoped3A_36, %dma_wait3A] : memref<4x128xi32, #tpu.memory_space<vmem>> -> memref<1x128xi32, #tpu.memory_space<vmem>>
      %dma_wait3A_59 = tpu.memref_squeeze %dma_wait3A_58 : memref<1x128xi32, #tpu.memory_space<vmem>> -> memref<128xi32, #tpu.memory_space<vmem>>
      %dma_wait3A_60 = tpu.memref_slice %arg2[%add3A_35] : memref<16384xi32, #tpu.memory_space<hbm>> -> memref<128xi32, #tpu.memory_space<hbm>>
      %dma_wait3A_61 = arith.constant 0 : i32
      %dma_wait3A_62 = tpu.memref_slice %arg5[%run_scoped3A_36, %dma_wait3A_61] : memref<4x128xi32, #tpu.memory_space<vmem>> -> memref<1x128xi32, #tpu.memory_space<vmem>>
      %dma_wait3A_63 = tpu.memref_squeeze %dma_wait3A_62 : memref<1x128xi32, #tpu.memory_space<vmem>> -> memref<128xi32, #tpu.memory_space<vmem>>
      %dma_wait3A_64 = tpu.memref_slice %arg2[%add3A_35] : memref<16384xi32, #tpu.memory_space<hbm>> -> memref<128xi32, #tpu.memory_space<hbm>>
      tpu.wait_dma2 semaphore(%run_scoped3A_50 : memref<!tpu.dma_semaphore, #tpu.memory_space<semaphore_mem>>) src(%dma_wait3A_64 : memref<128xi32, #tpu.memory_space<hbm>>) dst(%dma_wait3A_63 : memref<128xi32, #tpu.memory_space<vmem>>)
      tpu.yield
    }) : () -> ()
    %add3A_37 = arith.constant 384 : i32
    %add3A_38 = arith.addi %mul3A_2, %add3A_37 : i32
    %run_scoped3A_39 = arith.constant 3 : i32
    "tpu.region"() ({
      %run_scoped3A_50 = tpu.sem_alloc : memref<!tpu.dma_semaphore, #tpu.memory_space<semaphore_mem>>
      %dma_start3A = arith.constant 0 : i32
      %dma_start3A_51 = tpu.memref_slice %arg6[%run_scoped3A_39, %dma_start3A] : memref<4x128xf32, #tpu.memory_space<vmem>> -> memref<1x128xf32, #tpu.memory_space<vmem>>
      %dma_start3A_52 = tpu.memref_squeeze %dma_start3A_51 : memref<1x128xf32, #tpu.memory_space<vmem>> -> memref<128xf32, #tpu.memory_space<vmem>>
      %dma_start3A_53 = tpu.memref_slice %arg3[%add3A_38] : memref<16384xf32, #tpu.memory_space<hbm>> -> memref<128xf32, #tpu.memory_space<hbm>>
      %dma_start3A_54 = arith.constant 0 : i32
      %dma_start3A_55 = tpu.memref_slice %arg6[%run_scoped3A_39, %dma_start3A_54] : memref<4x128xf32, #tpu.memory_space<vmem>> -> memref<1x128xf32, #tpu.memory_space<vmem>>
      %dma_start3A_56 = tpu.memref_squeeze %dma_start3A_55 : memref<1x128xf32, #tpu.memory_space<vmem>> -> memref<128xf32, #tpu.memory_space<vmem>>
      %dma_start3A_57 = tpu.memref_slice %arg3[%add3A_38] : memref<16384xf32, #tpu.memory_space<hbm>> -> memref<128xf32, #tpu.memory_space<hbm>>
      tpu.enqueue_dma source(%dma_start3A_57 : memref<128xf32, #tpu.memory_space<hbm>>) target(%dma_start3A_56 : memref<128xf32, #tpu.memory_space<vmem>>) target_semaphore(%run_scoped3A_50 : memref<!tpu.dma_semaphore, #tpu.memory_space<semaphore_mem>>)
      %dma_wait3A = arith.constant 0 : i32
      %dma_wait3A_58 = tpu.memref_slice %arg6[%run_scoped3A_39, %dma_wait3A] : memref<4x128xf32, #tpu.memory_space<vmem>> -> memref<1x128xf32, #tpu.memory_space<vmem>>
      %dma_wait3A_59 = tpu.memref_squeeze %dma_wait3A_58 : memref<1x128xf32, #tpu.memory_space<vmem>> -> memref<128xf32, #tpu.memory_space<vmem>>
      %dma_wait3A_60 = tpu.memref_slice %arg3[%add3A_38] : memref<16384xf32, #tpu.memory_space<hbm>> -> memref<128xf32, #tpu.memory_space<hbm>>
      %dma_wait3A_61 = arith.constant 0 : i32
      %dma_wait3A_62 = tpu.memref_slice %arg6[%run_scoped3A_39, %dma_wait3A_61] : memref<4x128xf32, #tpu.memory_space<vmem>> -> memref<1x128xf32, #tpu.memory_space<vmem>>
      %dma_wait3A_63 = tpu.memref_squeeze %dma_wait3A_62 : memref<1x128xf32, #tpu.memory_space<vmem>> -> memref<128xf32, #tpu.memory_space<vmem>>
      %dma_wait3A_64 = tpu.memref_slice %arg3[%add3A_38] : memref<16384xf32, #tpu.memory_space<hbm>> -> memref<128xf32, #tpu.memory_space<hbm>>
      tpu.wait_dma2 semaphore(%run_scoped3A_50 : memref<!tpu.dma_semaphore, #tpu.memory_space<semaphore_mem>>) src(%dma_wait3A_64 : memref<128xf32, #tpu.memory_space<hbm>>) dst(%dma_wait3A_63 : memref<128xf32, #tpu.memory_space<vmem>>)
      tpu.yield
    }) : () -> ()
    %run_scoped3A_40 = arith.constant 3 : i32
    %run_scoped3A_41 = arith.constant 3 : i32
    "tpu.region"() ({
      %run_scoped3A_50 = tpu.sem_alloc : memref<!tpu.dma_semaphore, #tpu.memory_space<semaphore_mem>>
      %dma_start3A = arith.constant 0 : i32
      %dma_start3A_51 = tpu.memref_slice %arg6[%run_scoped3A_40, %dma_start3A] : memref<4x128xf32, #tpu.memory_space<vmem>> -> memref<1x128xf32, #tpu.memory_space<vmem>>
      %dma_start3A_52 = tpu.memref_squeeze %dma_start3A_51 : memref<1x128xf32, #tpu.memory_space<vmem>> -> memref<128xf32, #tpu.memory_space<vmem>>
      %dma_start3A_53 = arith.constant 0 : i32
      %dma_start3A_54 = tpu.memref_slice %arg5[%run_scoped3A_41, %dma_start3A_53] : memref<4x128xi32, #tpu.memory_space<vmem>> -> memref<1x128xi32, #tpu.memory_space<vmem>>
      %dma_start3A_55 = tpu.memref_squeeze %dma_start3A_54 : memref<1x128xi32, #tpu.memory_space<vmem>> -> memref<128xi32, #tpu.memory_space<vmem>>
      %dma_start3A_56 = arith.constant 0 : i32
      %dma_start3A_57 = tpu.memref_slice %arg8[%dma_start3A_56] : memref<100352xf32, #tpu.memory_space<vmem_shared>> -> memref<100352xf32, #tpu.memory_space<vmem_shared>>
      tpu.enqueue_indirect_dma source(%dma_start3A_52 : memref<128xf32, #tpu.memory_space<vmem>>) target(%dma_start3A_57 : memref<100352xf32, #tpu.memory_space<vmem_shared>>) offsets(%dma_start3A_55 : memref<128xi32, #tpu.memory_space<vmem>>) semaphore(%run_scoped3A_50 : memref<!tpu.dma_semaphore, #tpu.memory_space<semaphore_mem>>) {add = true}
      %dma_wait3A = arith.constant 0 : i32
      %dma_wait3A_58 = tpu.memref_slice %arg6[%run_scoped3A_40, %dma_wait3A] : memref<4x128xf32, #tpu.memory_space<vmem>> -> memref<1x128xf32, #tpu.memory_space<vmem>>
      %dma_wait3A_59 = tpu.memref_squeeze %dma_wait3A_58 : memref<1x128xf32, #tpu.memory_space<vmem>> -> memref<128xf32, #tpu.memory_space<vmem>>
      %dma_wait3A_60 = arith.constant 0 : i32
      %dma_wait3A_61 = tpu.memref_slice %arg5[%run_scoped3A_41, %dma_wait3A_60] : memref<4x128xi32, #tpu.memory_space<vmem>> -> memref<1x128xi32, #tpu.memory_space<vmem>>
      %dma_wait3A_62 = tpu.memref_squeeze %dma_wait3A_61 : memref<1x128xi32, #tpu.memory_space<vmem>> -> memref<128xi32, #tpu.memory_space<vmem>>
      %dma_wait3A_63 = arith.constant 0 : i32
      %dma_wait3A_64 = tpu.memref_slice %arg8[%dma_wait3A_63] : memref<100352xf32, #tpu.memory_space<vmem_shared>> -> memref<100352xf32, #tpu.memory_space<vmem_shared>>
      tpu.wait_indirect_dma semaphore(%run_scoped3A_50 : memref<!tpu.dma_semaphore, #tpu.memory_space<semaphore_mem>>) src(%dma_wait3A_59 : memref<128xf32, #tpu.memory_space<vmem>>) dst(%dma_wait3A_64 : memref<100352xf32, #tpu.memory_space<vmem_shared>>)
      tpu.yield
    }) : () -> ()
    %barrier3A_42 = arith.constant 0 : index
    tpu.barrier barrier_id(%barrier3A_42)
    %mul3A_43 = arith.constant 6272 : i32
    %mul3A_44 = arith.muli %arg1, %mul3A_43 : i32
    %mul3A_45 = arith.constant 100352 : i32
    %mul3A_46 = arith.muli %arg0, %mul3A_45 : i32
    %mul3A_47 = arith.constant 6272 : i32
    %mul3A_48 = arith.muli %arg1, %mul3A_47 : i32
    %add3A_49 = arith.addi %mul3A_46, %mul3A_48 : i32
    "tpu.region"() ({
      %run_scoped3A_50 = tpu.sem_alloc : memref<!tpu.dma_semaphore, #tpu.memory_space<semaphore_mem>>
      %dma_start3A = tpu.memref_slice %arg4[%add3A_49] : memref<200704xf32, #tpu.memory_space<hbm>> -> memref<6272xf32, #tpu.memory_space<hbm>>
      %dma_start3A_51 = tpu.memref_slice %arg8[%mul3A_44] : memref<100352xf32, #tpu.memory_space<vmem_shared>> -> memref<6272xf32, #tpu.memory_space<vmem_shared>>
      tpu.enqueue_dma source(%dma_start3A_51 : memref<6272xf32, #tpu.memory_space<vmem_shared>>) target(%dma_start3A : memref<6272xf32, #tpu.memory_space<hbm>>) target_semaphore(%run_scoped3A_50 : memref<!tpu.dma_semaphore, #tpu.memory_space<semaphore_mem>>)
      %dma_wait3A = tpu.memref_slice %arg4[%add3A_49] : memref<200704xf32, #tpu.memory_space<hbm>> -> memref<6272xf32, #tpu.memory_space<hbm>>
      %dma_wait3A_52 = tpu.memref_slice %arg8[%mul3A_44] : memref<100352xf32, #tpu.memory_space<vmem_shared>> -> memref<6272xf32, #tpu.memory_space<vmem_shared>>
      tpu.wait_dma2 semaphore(%run_scoped3A_50 : memref<!tpu.dma_semaphore, #tpu.memory_space<semaphore_mem>>) src(%dma_wait3A_52 : memref<6272xf32, #tpu.memory_space<vmem_shared>>) dst(%dma_wait3A : memref<6272xf32, #tpu.memory_space<hbm>>)
      tpu.yield
    }) : () -> ()
    return
  }
}

module attributes {stable_mosaic.version = 14 : i64} {
  func.func @_tc_user(%arg0: i32, %arg1: memref<16x131072xf32, #tpu.memory_space<vmem>>, %arg2: memref<1x131072xf32, #tpu.memory_space<vmem>>, %arg3: memref<200704xf32, #tpu.memory_space<vmem>>, %arg4: memref<16x100001xf32, #tpu.memory_space<vmem>>, %arg5: memref<131072xf32, #tpu.memory_space<vmem>>, %arg6: memref<1x128xf32, #tpu.memory_space<vmem>>, %arg7: memref<1x128xf32, #tpu.memory_space<vmem>>) attributes {dimension_semantics = [#tpu.dimension_semantics<arbitrary>], iteration_bounds = array<i64: 8>, scalar_prefetch = 0 : i64, scratch_operands = 1 : i64, tpu.core_type = #tpu.core_type<tc>, window_params = [{transform_indices = @transform_0, window_bounds = array<i64: 16, 131072>}, {transform_indices = @transform_1, window_bounds = array<i64: 1, 131072>}, {pipeline_mode = #tpu.pipeline_mode<synchronous>, transform_indices = @transform_2, window_bounds = array<i64: 200704>}, {pipeline_mode = #tpu.pipeline_mode<synchronous>, transform_indices = @transform_3, window_bounds = array<i64: 16, 100001>}, {transform_indices = @transform_4, window_bounds = array<i64: 131072>}, {pipeline_mode = #tpu.pipeline_mode<synchronous>, transform_indices = @transform_5, window_bounds = array<i64: 1, 128>}]} {
    %eq3A = arith.constant 0 : i32
    %eq3A_0 = arith.cmpi eq, %arg0, %eq3A : i32
    %convert_element_type3A = arith.extui %eq3A_0 : i1 to i32
    %cond3A = arith.constant 0 : i32
    %cond3A_1 = arith.cmpi ne, %convert_element_type3A, %cond3A : i32
    scf.if %cond3A_1 {
      %get3A_24 = arith.constant 0 : index
      %get3A_25 = vector.load %arg3[%get3A_24] : memref<200704xf32, #tpu.memory_space<vmem>>, vector<100352xf32>
      %get3A_26 = arith.constant 100352 : index
      %get3A_27 = vector.load %arg3[%get3A_26] : memref<200704xf32, #tpu.memory_space<vmem>>, vector<100352xf32>
      %add3A_28 = arith.addf %get3A_25, %get3A_27 : vector<100352xf32>
      %reduce_sum3A = vector.shape_cast %add3A_28 : vector<100352xf32> to vector<1x100352xf32>
      %reduce_sum3A_29 = arith.constant dense<0.000000e+00> : vector<1xf32>
      %reduce_sum3A_30 = vector.multi_reduction <add>, %reduce_sum3A, %reduce_sum3A_29 [1] : vector<1x100352xf32> to vector<1xf32>
      %reduce_sum3A_31 = vector.shape_cast %reduce_sum3A_30 : vector<1xf32> to vector<1x1xf32>
      %reduce_sum3A_32 = vector.extract %reduce_sum3A_31[0, 0] : f32 from vector<1x1xf32>
      %get3A_33 = arith.constant 0 : index
      %get3A_34 = arith.constant 0 : index
      %get3A_35 = vector.load %arg4[%get3A_33, %get3A_34] : memref<16x100001xf32, #tpu.memory_space<vmem>>, vector<16x100001xf32>
      %slice3A = vector.extract_strided_slice %add3A_28 {offsets = [0], sizes = [100001], strides = [1]} : vector<100352xf32> to vector<100001xf32>
      %broadcast_in_dim3A = vector.shape_cast %slice3A : vector<100001xf32> to vector<1x100001xf32>
      %mul3A_36 = vector.broadcast %broadcast_in_dim3A : vector<1x100001xf32> to vector<16x100001xf32>
      %mul3A_37 = arith.mulf %get3A_35, %mul3A_36 : vector<16x100001xf32>
      %reduce_sum3A_38 = arith.constant dense<0.000000e+00> : vector<16xf32>
      %reduce_sum3A_39 = vector.multi_reduction <add>, %mul3A_37, %reduce_sum3A_38 [1] : vector<16x100001xf32> to vector<16xf32>
      %swap3A_40 = arith.constant 0 : index
      %swap3A_41 = arith.constant 0 : index
      %swap3A_42 = vector.load %arg7[%swap3A_40, %swap3A_41] : memref<1x128xf32, #tpu.memory_space<vmem>>, vector<1x16xf32>
      %swap3A_43 = vector.shape_cast %swap3A_42 : vector<1x16xf32> to vector<16xf32>
      %swap3A_44 = vector.shape_cast %reduce_sum3A_39 : vector<16xf32> to vector<1x16xf32>
      tpu.vector_store %arg7[%swap3A_40, %swap3A_41], %swap3A_44 {strides = array<i32>} : memref<1x128xf32, #tpu.memory_space<vmem>>, vector<1x16xf32>,
      %broadcast_in_dim3A_45 = arith.constant 0.000000e+00 : f32
      %broadcast_in_dim3A_46 = vector.broadcast %broadcast_in_dim3A_45 : f32 to vector<16xf32>
      %add3A_47 = vector.broadcast %reduce_sum3A_32 : f32 to vector<16xf32>
      %add3A_48 = arith.addf %broadcast_in_dim3A_46, %add3A_47 : vector<16xf32>
      %swap3A_49 = arith.constant 0 : index
      %swap3A_50 = arith.constant 16 : index
      %swap3A_51 = vector.load %arg7[%swap3A_49, %swap3A_50] : memref<1x128xf32, #tpu.memory_space<vmem>>, vector<1x16xf32>
      %swap3A_52 = vector.shape_cast %swap3A_51 : vector<1x16xf32> to vector<16xf32>
      %swap3A_53 = vector.shape_cast %add3A_48 : vector<16xf32> to vector<1x16xf32>
      tpu.vector_store %arg7[%swap3A_49, %swap3A_50], %swap3A_53 {strides = array<i32>} : memref<1x128xf32, #tpu.memory_space<vmem>>, vector<1x16xf32>,
      %broadcast_in_dim3A_54 = arith.constant 0.000000e+00 : f32
      %broadcast_in_dim3A_55 = vector.broadcast %broadcast_in_dim3A_54 : f32 to vector<96xf32>
      %swap3A_56 = arith.constant 0 : index
      %swap3A_57 = arith.constant 32 : index
      %swap3A_58 = vector.load %arg7[%swap3A_56, %swap3A_57] : memref<1x128xf32, #tpu.memory_space<vmem>>, vector<1x96xf32>
      %swap3A_59 = vector.shape_cast %swap3A_58 : vector<1x96xf32> to vector<96xf32>
      %swap3A_60 = vector.shape_cast %broadcast_in_dim3A_55 : vector<96xf32> to vector<1x96xf32>
      tpu.vector_store %arg7[%swap3A_56, %swap3A_57], %swap3A_60 {strides = array<i32>} : memref<1x128xf32, #tpu.memory_space<vmem>>, vector<1x96xf32>,
    } else {
    }
    %get3A = arith.constant 0 : index
    %get3A_2 = arith.constant 0 : index
    %get3A_3 = vector.load %arg7[%get3A, %get3A_2] : memref<1x128xf32, #tpu.memory_space<vmem>>, vector<1x16xf32>
    %get3A_4 = arith.constant 0 : index
    %get3A_5 = arith.constant 0 : index
    %get3A_6 = vector.load %arg1[%get3A_4, %get3A_5] : memref<16x131072xf32, #tpu.memory_space<vmem>>, vector<16x131072xf32>
    %dot_general3A = arith.constant dense<0.000000e+00> : vector<1x131072xf32>
    %dot_general3A_7 = tpu.matmul %get3A_3, %get3A_6, %dot_general3A {dimension_numbers = #tpu.dot_dimension_numbers<[1], [0], [0], [1], [0, 0, 1, 1], [], []>, transpose_lhs_hint = false} : vector<1x16xf32>, vector<16x131072xf32>, vector<1x131072xf32> -> vector<1x131072xf32>
    %squeeze3A = vector.shape_cast %dot_general3A_7 : vector<1x131072xf32> to vector<131072xf32>
    %get3A_8 = arith.constant 0 : index
    %get3A_9 = arith.constant 16 : index
    %get3A_10 = vector.load %arg7[%get3A_8, %get3A_9] : memref<1x128xf32, #tpu.memory_space<vmem>>, vector<1x1xf32>
    %get3A_11 = vector.extract %get3A_10[0, 0] : f32 from vector<1x1xf32>
    %get3A_12 = arith.constant 0 : index
    %get3A_13 = arith.constant 0 : index
    %get3A_14 = vector.load %arg2[%get3A_12, %get3A_13] : memref<1x131072xf32, #tpu.memory_space<vmem>>, vector<1x131072xf32>
    %get3A_15 = vector.shape_cast %get3A_14 : vector<1x131072xf32> to vector<131072xf32>
    %mul3A = vector.broadcast %get3A_11 : f32 to vector<131072xf32>
    %mul3A_16 = arith.mulf %mul3A, %get3A_15 : vector<131072xf32>
    %add3A = arith.addf %squeeze3A, %mul3A_16 : vector<131072xf32>
    %swap3A = arith.constant 0 : index
    %swap3A_17 = vector.load %arg5[%swap3A] : memref<131072xf32, #tpu.memory_space<vmem>>, vector<131072xf32>
    tpu.vector_store %arg5[%swap3A], %add3A {strides = array<i32>} : memref<131072xf32, #tpu.memory_space<vmem>>, vector<131072xf32>,
    %get3A_18 = arith.constant 0 : index
    %get3A_19 = arith.constant 0 : index
    %get3A_20 = vector.load %arg7[%get3A_18, %get3A_19] : memref<1x128xf32, #tpu.memory_space<vmem>>, vector<1x128xf32>
    %swap3A_21 = arith.constant 0 : index
    %swap3A_22 = arith.constant 0 : index
    %swap3A_23 = vector.load %arg6[%swap3A_21, %swap3A_22] : memref<1x128xf32, #tpu.memory_space<vmem>>, vector<1x128xf32>
    tpu.vector_store %arg6[%swap3A_21, %swap3A_22], %get3A_20 {strides = array<i32>} : memref<1x128xf32, #tpu.memory_space<vmem>>, vector<1x128xf32>,
    return
  }
  func.func @transform_0(%arg0: i32) -> (i32, i32) {
    %c0_i32 = arith.constant 0 : i32
    %c0_i32_0 = arith.constant 0 : i32
    return %c0_i32, %arg0 : i32, i32
  }
  func.func @transform_1(%arg0: i32) -> (i32, i32) {
    %c0_i32 = arith.constant 0 : i32
    %c0_i32_0 = arith.constant 0 : i32
    return %c0_i32, %arg0 : i32, i32
  }
  func.func @transform_2(%arg0: i32) -> i32 {
    %c0_i32 = arith.constant 0 : i32
    %c0_i32_0 = arith.constant 0 : i32
    return %c0_i32 : i32
  }
  func.func @transform_3(%arg0: i32) -> (i32, i32) {
    %c0_i32 = arith.constant 0 : i32
    %c0_i32_0 = arith.constant 0 : i32
    %c0_i32_1 = arith.constant 0 : i32
    return %c0_i32, %c0_i32_0 : i32, i32
  }
  func.func @transform_4(%arg0: i32) -> i32 {
    %c0_i32 = arith.constant 0 : i32
    return %arg0 : i32
  }
  func.func @transform_5(%arg0: i32) -> (i32, i32) {
    %c0_i32 = arith.constant 0 : i32
    %c0_i32_0 = arith.constant 0 : i32
    %c0_i32_1 = arith.constant 0 : i32
    return %c0_i32, %c0_i32_0 : i32, i32
  }
}

</mosaic_0001>

<sc_bundles>
// kernel: kernel.5.cloned.1.call-start
scs
__scs_entry_jumppad:
0x0: {  	(pc) =	sbr.rel $0x88, $3  }
0x1: {  	(tag) =	ssettag $0x0;
	lr =	simm.s32 $0x1  }
0x2: {  	[smem:$0x3F99] =	sst lr;
	_ =	strace $0xD0000000  }
0x3: {  	_ = 	snop  }
0x4: {  	_ = 	snop  }
0x5: {  	_ = 	snop  }
0x6: {  	_ = 	snop  }
0x7: {  	_ = 	snop  }
__scs_overlays_trampoline_lowered:
0x8: {  	[smem:$0x3FA8] =	sst s0  }
0x9: {  	[smem:$0x3FA9] =	sst s1  }
0xa: {  	[smem:$0x3FAA] =	sst s2  }
0xb: {  	[smem:$0x3FAB] =	sst s3  }
0xc: {  	[smem:$0x3FAC] =	sst s4  }
0xd: {  	[smem:$0x3FAD] =	sst s5  }
0xe: {  	[smem:$0x3FAE] =	sst s6  }
0xf: {  	[smem:$0x3FAF] =	sst s7  }
0x10: {  	[smem:$0x3FB0] =	sst s8  }
0x11: {  	[smem:$0x3FB1] =	sst s9;
	s0 =	simm.s32 @!p0 $0x0  }
0x12: {  	s1 =	sld [smem:$0x3F97];
	s0 =	simm.s32 @p0 $0x1  }
0x13: {  	[smem:$0x3FB2] =	sst s0;
	s0 =	simm.s32 @!p1 $0x0  }
0x14: {  	s2 =	sld [smem:$0x3F96];
	s0 =	simm.s32 @p1 $0x1  }
0x15: {  	[smem:$0x3FB3] =	sst s0;
	s0 =	simm.s32 @!p2 $0x0  }
0x16: {  	s3 =	sld [smem:$0x3FDB];
	s0 =	simm.s32 @p2 $0x1  }
0x17: {  	s4 =	simm.s32 $0x1BF5;
	[smem:$0x3FB5] =	sst s0  }
0x18: {  	s0 =	sld [smem:$0x3F98];
	_ =	swait.ge [sflag:s4], $0x0  }
0x19: {  	s7 =	sld [smem:$0x3F99]  }
0x1a: {  	s8 =	sadd.s32 $0xFFFFE003, lr  }
0x1b: {  	s9 =	sadd.s32 $0xFFFFFEF7, lr;
	s5 =	simm.s32 $0xFFFFFFFF;
	p2 =	slt.u32 s8, $0xFFFFF086  }
0x1c: {  	p1 =	slt.u32 s9, $0xF7A;
	s5 =	simm.s32 @!p2 $0x0  }
0x1d: {  	s5 =	simm.s32 @p1 $0x1;
	p0 =	seq.s32 s7, s2  }
0x1e: {  	s7 =	smul.u32 @!p0 $0xF7A, s2;
	p2 =	seq.s32 @!p0 s5, $0x0  }
0x1f: {  	s9 =	smul.u32 $0xF7A, s1;
	s8 =	simm.s32 @!p0 $0x1BF5;
	p2 =	por !p2, p0  }
0x20: {  	[sflag:s8] =	ssyncset.s32 @!p0 $0xFFFFF086;
	s6 =	sadd.s32 @!p0 s3, s7;
	s7 =	simm.s32 @!p0 $0x108  }
0x21: {  	s3 =	sadd.s32 s3, s9;
	s6 =	sadd.s32 @!p0 $0x88, s6;
	s7 =	simm.s32 @p2 $0x1082  }
0x22: {  	[simem:s7], [sflag:s8] =	dma.local @!p0 [hbm:s6], $0xF7A  }
0x23: {  	s9 =	sor.u32 $0xD0000000, s2;
	s6 =	simm.s32 $0x108;
	_ =	swait.ge @!p0 [sflag:s8], $0x0  }
0x24: {  	s3 =	sadd.s32 $0x88, s3;
	s6 =	simm.s32 @!p1 $0x1082;
	[sflag:s4] =	ssyncset.s32 $0xFFFFF086  }
0x25: {  	[simem:s6], [sflag:s4] =	dma.local [hbm:s3], $0xF7A  }
0x26: {  	[smem:$0x3F99] =	sst s1;
	(tag) =	ssettag s2;
	_ =	strace s9  }
0x27: {  	s1 =	sld [smem:$0x3FA9]  }
0x28: {  	s2 =	sld [smem:$0x3FAA]  }
0x29: {  	s4 =	sld [smem:$0x3FAC]  }
0x2a: {  	p0 =	seq.s32 s5, $0x0;
	s5 =	sld [smem:$0x3FAD]  }
0x2b: {  	s6 =	sld [smem:$0x3FAE]  }
0x2c: {  	s7 =	sld [smem:$0x3FAF]  }
0x2d: {  	s3 =	simm.s32 $0x108;
	s8 =	sld [smem:$0x3FB0]  }
0x2e: {  	s3 =	simm.s32 @!p0 $0x1082;
	s9 =	sld [smem:$0x3FB1]  }
0x2f: {  	lr =	sadd.s32 s0, s3;
	s0 =	sld [smem:$0x3FA8]  }
0x30: {  	s3 =	sld [smem:$0x3FAB]  }
0x31: {  	[smem:$0x3FB4] =	sst s10  }
0x32: {  	s10 =	sld [smem:$0x3FB2];
	_ =	sdelay $0x3  }
0x33: {  	p0 =	seq.s32 s10, $0x1;
	s10 =	sld [smem:$0x3FB4];
	_ =	sdelay $0x3  }
0x34: {  	[smem:$0x3FB4] =	sst s10  }
0x35: {  	s10 =	sld [smem:$0x3FB3];
	_ =	sdelay $0x3  }
0x36: {  	p1 =	seq.s32 s10, $0x1;
	s10 =	sld [smem:$0x3FB4];
	_ =	sdelay $0x3  }
0x37: {  	[smem:$0x3FB4] =	sst s10  }
0x38: {  	s10 =	sld [smem:$0x3FB5]  }
0x39: {  	_ = 	snop;
	(pc) =	sbr.ind lr, $3  }
0x3a: {  	_ = 	snop  }
0x3b: {  	_ = 	snop  }
0x3c: {  	p2 =	seq.s32 s10, $0x1;
	s10 =	sld [smem:$0x3FB4]  }
0x3d: {  	_ =	shalt  }
0x3e: {  	_ =	shalt  }
0x3f: {  	_ =	shalt  }
0x40: {  	_ =	shalt  }
0x41: {  	_ =	shalt  }
0x42: {  	_ =	shalt  }
0x43: {  	_ =	shalt  }
0x44: {  	_ =	shalt  }
0x45: {  	_ =	shalt  }
0x46: {  	_ =	shalt  }
0x47: {  	_ =	shalt  }
0x48: {  	_ =	shalt  }
0x49: {  	_ =	shalt  }
0x4a: {  	_ =	shalt  }
0x4b: {  	_ =	shalt  }
0x4c: {  	_ =	shalt  }
0x4d: {  	_ =	shalt  }
0x4e: {  	_ =	shalt  }
0x4f: {  	_ =	shalt  }
0x50: {  	_ =	shalt  }
0x51: {  	_ =	shalt  }
0x52: {  	_ =	shalt  }
0x53: {  	_ =	shalt  }
0x54: {  	_ =	shalt  }
0x55: {  	_ =	shalt  }
0x56: {  	_ =	shalt  }
0x57: {  	_ =	shalt  }
0x58: {  	_ =	shalt  }
0x59: {  	_ =	shalt  }
0x5a: {  	_ =	shalt  }
0x5b: {  	_ =	shalt  }
0x5c: {  	_ =	shalt  }
0x5d: {  	_ =	shalt  }
0x5e: {  	_ =	shalt  }
0x5f: {  	_ =	shalt  }
0x60: {  	_ =	shalt  }
0x61: {  	_ =	shalt  }
0x62: {  	_ =	shalt  }
0x63: {  	_ =	shalt  }
0x64: {  	_ =	shalt  }
0x65: {  	_ =	shalt  }
0x66: {  	_ =	shalt  }
0x67: {  	_ =	shalt  }
0x68: {  	_ =	shalt  }
0x69: {  	_ =	shalt  }
0x6a: {  	_ =	shalt  }
0x6b: {  	_ =	shalt  }
0x6c: {  	_ =	shalt  }
0x6d: {  	_ =	shalt  }
0x6e: {  	_ =	shalt  }
0x6f: {  	_ =	shalt  }
0x70: {  	_ =	shalt  }
0x71: {  	_ =	shalt  }
0x72: {  	_ =	shalt  }
0x73: {  	_ =	shalt  }
0x74: {  	_ =	shalt  }
0x75: {  	_ =	shalt  }
0x76: {  	_ =	shalt  }
0x77: {  	_ =	shalt  }
0x78: {  	_ =	shalt  }
0x79: {  	_ =	shalt  }
0x7a: {  	_ =	shalt  }
0x7b: {  	_ =	shalt  }
0x7c: {  	_ =	shalt  }
0x7d: {  	_ =	shalt  }
0x7e: {  	_ =	shalt  }
0x7f: {  	_ =	shalt  }
0x80: {  	_ =	shalt  }
0x81: {  	_ =	shalt  }
0x82: {  	_ =	shalt  }
0x83: {  	_ =	shalt  }
0x84: {  	_ =	shalt  }
0x85: {  	_ =	shalt  }
0x86: {  	_ =	shalt  }
0x87: {  	_ =	shalt  }
.Lfunc_end0:
.L_simem_size_0:
called_computation_lowered:
.L_overlay_start_0:
0x88: {  	s2 =	sld [smem:$0x3FD9]  }
0x89: {  	s3 =	sld [smem:$0x3FFE];
	_ =	sdelay $0x1  }
0x8a: {  	s1 =	srdreg.scid  }
0x8b: {  	s0 =	sand.u32 $0x1, s1  }
0x8c: {  	s17 =	sshll.u32 s0, $0xA;
	s2 =	sadd.s32 s3, s2  }
0x8d: {  	s2 =	sadd.s32 s2, s17  }
0x8e: {  	[smem:$0x3FC0] =	sst s2  }
0x8f: {  	_ = 	snop  }
0x90: {  	s2 =	sld [smem:$0x3FC8]  }
0x91: {  	s18 =	sld [smem:$0x3FC3];
	(tm) =	ssettm $0x1  }
0x92: {  	s4 =	sld [smem:$0x3FFB];
	_ =	sdelay $0x3  }
0x93: {  	_ =	strace s4  }
0x94: {  	s4 =	sld [smem:$0x3FFC];
	_ =	sdelay $0x3  }
0x95: {  	_ =	strace s4  }
0x96: {  	s4 =	sld [smem:$0x3FFD];
	_ =	sdelay $0x3  }
0x97: {  	_ =	strace s4  }
0x98: {  	_ =	strace $0x8FFFFFFF  }
0x99: {  	s19 =	sld [smem:$0x3FDB];
	_ =	sdelay $0x1  }
0x9a: {  	s5 =	simm.s32 $_scs_section_size  }
0x9b: {  	s6 =	simm.s32 $_size__tile_overlayer_lowered;
	s7 =	simm.s32 $_tile_overlayer_lowered  }
0x9c: {  	s22 =	simm.s32 $0x1BFF;
	s21 =	sshll.u32 s7, $0x1;
	s4 =	sadd.s32 s5, s19  }
0x9d: {  	s8 =	simm.s32 $0x0;
	s20 =	sshll.u32 s6, $0x1;
	s6 =	sadd.s32 s21, s4  }
0x9e: {  	[timem:s8], [sflag:s22] =	dma.local [hbm:s6], s20  }
0x9f: {  	_ =	swait.ge [sflag:s22], s20  }
0xa0: {  	s5 =	ssub.s32 $0x0, s20;
	[sflag:s22] =	ssyncset.done $0x0  }
0xa1: {  	[sflag:s22] =	ssyncadd.s32 s5;
	_ =	sdelay $0x1  }
0xa2: {  	s23 =	simm.s32 $0x1B8B  }
0xa3: {  	_ =	swait.ge [sflag:s23], $0x1  }
0xa4: {  	[sflag:s23] =	ssyncset.done $0x0  }
0xa5: {  	s25 =	simm.s32 $0x1B8E;
	s24 =	sld [smem:$0x3FFE];
	[sflag:s23] =	ssyncadd.s32 $0xFFFFFFFF  }
0xa6: {  	s26 =	simm.s32 $execute0_lowered;
	[smem:$0x3FD2] =	sst s25  }
0xa7: {  	s6 =	sshll.u32 s26, $0x1;
	_ =	strace $0x80000046;
	[dreg:$0x1] =	wrdreg $0xFFFFFFFF  }
0xa8: {  	s28 =	simm.s32 $_size_execute0_lowered;
	s4 =	sadd.s32 s4, s6;
	[dreg:$0x0] =	wrdreg $0x0  }
0xa9: {  	s6 =	sshll.u32 s28, $0x1;
	[dreg:$0x2] =	wrdreg s4  }
0xaa: {  	[dreg:$0x3] =	wrdreg s6  }
0xab: {  	[dreg:$0x4] =	wrdreg $0xC0  }
0xac: {  	_ =	task [dreg:s8], $0x5FFFF  }
0xad: {  	[dreg:$0x1] =	wrdreg $0xFFFFFFFF  }
0xae: {  	[dreg:$0x0] =	wrdreg $0x60  }
0xaf: {  	[dreg:$0x2] =	wrdreg s2  }
0xb0: {  	[dreg:$0x3] =	wrdreg s18  }
0xb1: {  	[dreg:$0x4] =	wrdreg s24  }
0xb2: {  	[dreg:$0x5] =	wrdreg $0x1C800  }
0xb3: {  	[dreg:$0x6] =	wrdreg $0x9  }
0xb4: {  	_ =	task.clear_ibuf [dreg:s8], $0x7FFFF;
	_ =	strace $0x90000046  }
0xb5: {  	s29 =	simm.s32 $0x9;
	_ =	strace $0x80000048  }
0xb6: {  	_ =	swait.ge [sflag:s29], $0x1  }
0xb7: {  	[sflag:s29] =	ssyncadd.s32 $0xFFFFFFFF  }
0xb8: {  	_ =	strace $0x90000048  }
0xb9: {  	_ =	sfence  }
0xba: {  	s30 =	sld [smem:$0x0];
	_ =	sdelay $0x2  }
0xbb: {  	s31 =	sshll.u32 s1, $0xD;
	s1 =	sshrl.u32 s1, $0x2  }
0xbc: {  	s3 =	sand.u32 $0x4000, s31;
	s1 =	sadd.s32 s1, s30  }
0xbd: {  	s0 =	sor.u32 s3, s0;
	s1 =	sshll.u32 s1, $0x11  }
0xbe: {  	s0 =	sor.u32 s1, s0  }
0xbf: {  	s0 =	sadd.s32 $0x8F2B, s0  }
0xc0: {  	[sflag:s0] =	ssyncadd.remote.s32 $0x1  }
0xc1: {  	_ =	sfence.sel $0xFFFF  }
0xc2: {  	[dreg:$0x0] =	wrdreg $0xFFFFFFFF;
	(pc) =	sbr.abs _section_cstart, $3  }
0xc3: {  	[dreg:$0x1] =	wrdreg $0xFFFFFFFF  }
0xc4: {  	_ =	task.clear_ibuf [dreg:s8], $0x2FFFF;
	_ =	strace $0x9FFFFFFF  }
0xc5: {  	(tm) =	ssettm $0x7FFFFFFF  }
tec
execute0_lowered:
.L_overlay_start_1:
0x0: {  	(tag) =	ssettag $0x1  }
0x1: {  	s11 =	rddreg [dreg:$0x0]  }
0x2: {  	s12 =	rddreg [dreg:$0x1]  }
0x3: {  	s1 =	srdreg.scid;
	s4 =	rddreg [dreg:$0x2]  }
0x4: {  	s0 =	stileid.u32;
	s2 =	rddreg [dreg:$0x3];
	s3 =	simm.s32 $0x0  }
0x5: {  	s17 =	simm.s32 $0x200;
	s18 =	simm.s32 $0x80;
	s19 =	simm.s32 $0x280  }
0x6: {  	s20 =	simm.s32 $0x100;
	s21 =	simm.s32 $0x300;
	s22 =	simm.s32 $0x180  }
0x7: {  	s23 =	simm.s32 $0x380;
	s5 =	sand.u32 $0x1, s1;
	s1 =	rddreg [dreg:$0x4]  }
0x8: {  	s24 =	simm.s32 $0x0;
	s6 =	smul.u32 $0x1880, s0;
	[smem:$0x7FF] =	sst s3  }
0x9: {  	s10 =	sshll.u32 s0, $0x7;
	s7 =	smul.u32 $0x18800, s5;
	s8 =	ssub.s32 $0x2, s5  }
0xa: {  	_ =	strace $0x80000047;
	s5 =	sshll.u32 s5, $0x6;
	s9 =	sshrl.u32 s8, $0x1  }
0xb: {  	s10 =	sor.u32 s5, s10;
	s7 =	sadd.s32 s6, s7;
	s14 =	ssub.s32 s8, s9  }
0xc: {  	s5 =	sadd.s32 s11, s10;
	s31 =	sor.u32 $0x10, s10;
	s15 =	sor.u32 $0x20, s10  }
0xd: {  	s16 =	sor.u32 $0x30, s10;
	s7 =	sshrl.u32 s7, $0x3;
	s8 =	sadd.s32 s12, s31  }
0xe: {  	s9 =	sadd.s32 s11, s15;
	s14 =	smax.u32 s14, $0x1;
	s13 =	sadd.s32 s7, s4  }
0xf: {  	s4 =	sadd.s32 s6, s2;
	s6 =	sadd.s32 s12, s10;
	s7 =	sadd.s32 s11, s31  }
0x10: {  	s10 =	sadd.s32 s12, s15;
	s11 =	sadd.s32 s11, s16;
	s12 =	sadd.s32 s12, s16  }
0x11: {  	v0 =	vimm.f32 $0.0e+00;
	s15 =	simm.s32 $0x400;
	s16 =	simm.s32 $0x1;
	s13 =	sadd.s32 $0x1000, s13  }
.LBB2_1:
0x12: {  	s25 =	simm.s32 $0x0;
	s26 =	simm.s32 $0x200  }
.LBB2_2:
0x13: {  	p0 =	sne.s32 s26, $0x6000;
	[tilespmem:s25+$0x470] =	vst v0  }
0x14: {  	[tilespmem:s25+$0x400] =	vst v0  }
0x15: {  	[tilespmem:s25+$0x410] =	vst v0  }
.Ltmp0:
0x16: {  	[tilespmem:s25+$0x420] =	vst v0;
	(pc) =	sbr.rel @p0 .LBB2_2-.Ltmp0, $4  }
0x17: {  	[tilespmem:s25+$0x430] =	vst v0  }
0x18: {  	[tilespmem:s25+$0x440] =	vst v0  }
0x19: {  	[tilespmem:s25+$0x450] =	vst v0  }
0x1a: {  	[tilespmem:s25+$0x460] =	vst v0;
	s25 =	sshra.s32 s26, $0x2;
	s26 =	sadd.s32 $0x200, s26  }
0x1b: {  	[tilespmem:s25+$0x470] =	vst v0  }
0x1c: {  	[tilespmem:s25+$0x400] =	vst v0  }
0x1d: {  	[tilespmem:s25+$0x410] =	vst v0  }
0x1e: {  	[tilespmem:s25+$0x420] =	vst v0  }
0x1f: {  	[tilespmem:s25+$0x430] =	vst v0  }
0x20: {  	[tilespmem:s25+$0x440] =	vst v0  }
0x21: {  	[tilespmem:s25+$0x450] =	vst v0  }
0x22: {  	[tilespmem:s25+$0x460] =	vst v0  }
0x23: {  	[spmem:s4] =	stream.linear.scatter [tilespmem:s15], [sflag:$0x1], $0x1880, $0x38;
	[tilespmem:$0x3500] =	vst v63  }
0x24: {  	_ =	swait.ge [sflag:s16], $0x1880  }
0x25: {  	[sflag:s16] =	ssyncset.done $0x0  }
0x26: {  	[sflag:s16] =	ssyncadd.s32 $0xFFFFE780  }
0x27: {  	[bflag:$0x0] =	sbarrier.arrive $0xFFFF  }
0x28: {  	[tilespmem:s3], [sflag:$0x1] =	stream.linear.gather [hbm4b:s5+s3], $0x80, $0x38;
	[tilespmem:$0x3500] =	vst v63  }
0x29: {  	_ =	swait.ge [sflag:s16], $0x80  }
0x2a: {  	[sflag:s16] =	ssyncset.done $0x0  }
0x2b: {  	[sflag:s16] =	ssyncadd.s32 $0xFFFFFF80  }
0x2c: {  	[tilespmem:s17], [sflag:$0x1] =	stream.linear.gather [hbm4b:s6+s3], $0x80, $0x38;
	[tilespmem:$0x3500] =	vst v63  }
0x2d: {  	_ =	swait.ge [sflag:s16], $0x80  }
0x2e: {  	[sflag:s16] =	ssyncset.done $0x0  }
0x2f: {  	[sflag:s16] =	ssyncadd.s32 $0xFFFFFF80  }
0x30: {  	[spmem:s2] =	stream.indirect.scatter.add.f32 [tilespmem:s17], [sflag:$0x1], $0x1, s3, s18, $0xb8;
	[tilespmem:$0x3500] =	vst v63  }
0x31: {  	_ =	swait.ge [sflag:s16], $0x80  }
0x32: {  	[sflag:s16] =	ssyncset.done $0x0  }
0x33: {  	[sflag:s16] =	ssyncadd.s32 $0xFFFFFF80  }
0x34: {  	[tilespmem:s18], [sflag:$0x1] =	stream.linear.gather [hbm4b:s7+s3], $0x80, $0x38;
	[tilespmem:$0x3500] =	vst v63  }
0x35: {  	_ =	swait.ge [sflag:s16], $0x80  }
0x36: {  	[sflag:s16] =	ssyncset.done $0x0  }
0x37: {  	[sflag:s16] =	ssyncadd.s32 $0xFFFFFF80  }
0x38: {  	[tilespmem:s19], [sflag:$0x1] =	stream.linear.gather [hbm4b:s8+s3], $0x80, $0x38;
	[tilespmem:$0x3500] =	vst v63  }
0x39: {  	_ =	swait.ge [sflag:s16], $0x80  }
0x3a: {  	[sflag:s16] =	ssyncset.done $0x0  }
0x3b: {  	[sflag:s16] =	ssyncadd.s32 $0xFFFFFF80  }
0x3c: {  	[spmem:s2] =	stream.indirect.scatter.add.f32 [tilespmem:s19], [sflag:$0x1], $0x1, s18, s18, $0xb8;
	[tilespmem:$0x3500] =	vst v63  }
0x3d: {  	_ =	swait.ge [sflag:s16], $0x80  }
0x3e: {  	[sflag:s16] =	ssyncset.done $0x0  }
0x3f: {  	[sflag:s16] =	ssyncadd.s32 $0xFFFFFF80  }
0x40: {  	[tilespmem:s20], [sflag:$0x1] =	stream.linear.gather [hbm4b:s9+s3], $0x80, $0x38;
	[tilespmem:$0x3500] =	vst v63  }
0x41: {  	_ =	swait.ge [sflag:s16], $0x80  }
0x42: {  	[sflag:s16] =	ssyncset.done $0x0  }
0x43: {  	[sflag:s16] =	ssyncadd.s32 $0xFFFFFF80  }
0x44: {  	[tilespmem:s21], [sflag:$0x1] =	stream.linear.gather [hbm4b:s10+s3], $0x80, $0x38;
	[tilespmem:$0x3500] =	vst v63  }
0x45: {  	_ =	swait.ge [sflag:s16], $0x80  }
0x46: {  	[sflag:s16] =	ssyncset.done $0x0  }
0x47: {  	[sflag:s16] =	ssyncadd.s32 $0xFFFFFF80  }
0x48: {  	[spmem:s2] =	stream.indirect.scatter.add.f32 [tilespmem:s21], [sflag:$0x1], $0x1, s20, s18, $0xb8;
	[tilespmem:$0x3500] =	vst v63  }
0x49: {  	_ =	swait.ge [sflag:s16], $0x80  }
0x4a: {  	[sflag:s16] =	ssyncset.done $0x0  }
0x4b: {  	[sflag:s16] =	ssyncadd.s32 $0xFFFFFF80  }
0x4c: {  	[tilespmem:s22], [sflag:$0x1] =	stream.linear.gather [hbm4b:s11+s3], $0x80, $0x38;
	[tilespmem:$0x3500] =	vst v63  }
0x4d: {  	_ =	swait.ge [sflag:s16], $0x80  }
0x4e: {  	[sflag:s16] =	ssyncset.done $0x0  }
0x4f: {  	[sflag:s16] =	ssyncadd.s32 $0xFFFFFF80  }
0x50: {  	[tilespmem:s23], [sflag:$0x1] =	stream.linear.gather [hbm4b:s12+s3], $0x80, $0x38;
	[tilespmem:$0x3500] =	vst v63  }
0x51: {  	_ =	swait.ge [sflag:s16], $0x80  }
0x52: {  	[sflag:s16] =	ssyncset.done $0x0  }
0x53: {  	[sflag:s16] =	ssyncadd.s32 $0xFFFFFF80  }
0x54: {  	[spmem:s2] =	stream.indirect.scatter.add.f32 [tilespmem:s23], [sflag:$0x1], $0x1, s22, s18, $0xb8;
	[tilespmem:$0x3500] =	vst v63  }
0x55: {  	_ =	swait.ge [sflag:s16], $0x80  }
0x56: {  	s31 =	sshll.u32 s0, $0x6;
	s24 =	sadd.s32 $0x1, s24;
	[sflag:s16] =	ssyncset.done $0x0  }
0x57: {  	s26 =	sshrl.u32 s4, $0x3;
	p0 =	sne.s32 s24, s14;
	[sflag:s16] =	ssyncadd.s32 $0xFFFFFF80  }
.Ltmp1:
0x58: {  	s25 =	sor.u32 $0x1C01, s31;
	[bflag:$0x0] =	sbarrier.arrive $0xFFFF;
	(pc) =	sbr.rel @p0 .LBB2_1-.Ltmp1, $4  }
0x59: {  	[hbm:s13], [sflag:s25] =	dma.local [spmem:s26], $0x310  }
0x5a: {  	_ =	swait.ge [sflag:s16], $0x310  }
0x5b: {  	[sflag:s16] =	ssyncset.done $0x0  }
0x5c: {  	[sflag:s16] =	ssyncadd.s32 $0xFFFFFCF0  }
0x5d: {  	_ =	sfence.sel $0x180000  }
0x5e: {  	[bflag:$0x0] =	sbarrier.arrive $0xFFFF  }
0x5f: {  	p0 =	sne.s32 s0, $0x0;
	_ =	strace $0x90000047  }
0x60: {  	s0 =	sadd.s32 @!p0 $0x100000, s1;
	[bflag:$0x2] =	sbarrier.arrive $0xFFFF  }
0x61: {  	[sflag:s0] =	ssyncadd.tile.s32 @!p0 $0x1;
	_ =	shalt  }
.Lfunc_end2:
_tile_overlayer_lowered:
.L_overlay_start_2:
0x62: {  	(tag) =	ssettag $0x2  }
0x63: {  	s0 =	rddreg [dreg:$0x0];
	s2 =	stileid.u32  }
0x64: {  	s1 =	rddreg [dreg:$0x1];
	p0 =	sne.s32 s2, $0x0  }
0x65: {  	s3 =	rddreg [dreg:$0x2];
	[bflag:$0x3] =	sbarrier.arrive $0xFFFF;
	s2 =	simm.s32 @!p0 $0x1C01  }
0x66: {  	[timem:s3], [sflag:s2] =	dma.local @!p0 [hbm:s0], s1  }
0x67: {  	s0 =	simm.s32 @!p0 $0x1  }
0x68: {  	_ =	swait.ge @!p0 [sflag:s0], s1  }
0x69: {  	s1 =	ssub.s32 @!p0 $0x0, s1;
	[sflag:s0] =	ssyncset.done @!p0 $0x0  }
0x6a: {  	[sflag:s0] =	ssyncadd.s32 @!p0 s1  }
0x6b: {  	[bflag:$0x3] =	sbarrier.arrive $0xFFFF  }
0x6c: {  	_ =	shalt  }

// kernel: kernel.8.cloned.1.call-start
scs
__scs_entry_jumppad:
0x0: {  	(pc) =	sbr.rel $0x88, $3  }
0x1: {  	(tag) =	ssettag $0x0;
	lr =	simm.s32 $0x1  }
0x2: {  	[smem:$0x3F99] =	sst lr;
	_ =	strace $0xD0000000  }
0x3: {  	_ = 	snop  }
0x4: {  	_ = 	snop  }
0x5: {  	_ = 	snop  }
0x6: {  	_ = 	snop  }
0x7: {  	_ = 	snop  }
__scs_overlays_trampoline_lowered:
0x8: {  	[smem:$0x3FA8] =	sst s0  }
0x9: {  	[smem:$0x3FA9] =	sst s1  }
0xa: {  	[smem:$0x3FAA] =	sst s2  }
0xb: {  	[smem:$0x3FAB] =	sst s3  }
0xc: {  	[smem:$0x3FAC] =	sst s4  }
0xd: {  	[smem:$0x3FAD] =	sst s5  }
0xe: {  	[smem:$0x3FAE] =	sst s6  }
0xf: {  	[smem:$0x3FAF] =	sst s7  }
0x10: {  	[smem:$0x3FB0] =	sst s8  }
0x11: {  	[smem:$0x3FB1] =	sst s9;
	s0 =	simm.s32 @!p0 $0x0  }
0x12: {  	s1 =	sld [smem:$0x3F97];
	s0 =	simm.s32 @p0 $0x1  }
0x13: {  	[smem:$0x3FB2] =	sst s0;
	s0 =	simm.s32 @!p1 $0x0  }
0x14: {  	s2 =	sld [smem:$0x3F96];
	s0 =	simm.s32 @p1 $0x1  }
0x15: {  	[smem:$0x3FB3] =	sst s0;
	s0 =	simm.s32 @!p2 $0x0  }
0x16: {  	s3 =	sld [smem:$0x3FDB];
	s0 =	simm.s32 @p2 $0x1  }
0x17: {  	s4 =	simm.s32 $0x1BF5;
	[smem:$0x3FB5] =	sst s0  }
0x18: {  	s0 =	sld [smem:$0x3F98];
	_ =	swait.ge [sflag:s4], $0x0  }
0x19: {  	s7 =	sld [smem:$0x3F99]  }
0x1a: {  	s8 =	sadd.s32 $0xFFFFE003, lr  }
0x1b: {  	s9 =	sadd.s32 $0xFFFFFEF7, lr;
	s5 =	simm.s32 $0xFFFFFFFF;
	p2 =	slt.u32 s8, $0xFFFFF086  }
0x1c: {  	p1 =	slt.u32 s9, $0xF7A;
	s5 =	simm.s32 @!p2 $0x0  }
0x1d: {  	s5 =	simm.s32 @p1 $0x1;
	p0 =	seq.s32 s7, s2  }
0x1e: {  	s7 =	smul.u32 @!p0 $0xF7A, s2;
	p2 =	seq.s32 @!p0 s5, $0x0  }
0x1f: {  	s9 =	smul.u32 $0xF7A, s1;
	s8 =	simm.s32 @!p0 $0x1BF5;
	p2 =	por !p2, p0  }
0x20: {  	[sflag:s8] =	ssyncset.s32 @!p0 $0xFFFFF086;
	s6 =	sadd.s32 @!p0 s3, s7;
	s7 =	simm.s32 @!p0 $0x108  }
0x21: {  	s3 =	sadd.s32 s3, s9;
	s6 =	sadd.s32 @!p0 $0x88, s6;
	s7 =	simm.s32 @p2 $0x1082  }
0x22: {  	[simem:s7], [sflag:s8] =	dma.local @!p0 [hbm:s6], $0xF7A  }
0x23: {  	s9 =	sor.u32 $0xD0000000, s2;
	s6 =	simm.s32 $0x108;
	_ =	swait.ge @!p0 [sflag:s8], $0x0  }
0x24: {  	s3 =	sadd.s32 $0x88, s3;
	s6 =	simm.s32 @!p1 $0x1082;
	[sflag:s4] =	ssyncset.s32 $0xFFFFF086  }
0x25: {  	[simem:s6], [sflag:s4] =	dma.local [hbm:s3], $0xF7A  }
0x26: {  	[smem:$0x3F99] =	sst s1;
	(tag) =	ssettag s2;
	_ =	strace s9  }
0x27: {  	s1 =	sld [smem:$0x3FA9]  }
0x28: {  	s2 =	sld [smem:$0x3FAA]  }
0x29: {  	s4 =	sld [smem:$0x3FAC]  }
0x2a: {  	p0 =	seq.s32 s5, $0x0;
	s5 =	sld [smem:$0x3FAD]  }
0x2b: {  	s6 =	sld [smem:$0x3FAE]  }
0x2c: {  	s7 =	sld [smem:$0x3FAF]  }
0x2d: {  	s3 =	simm.s32 $0x108;
	s8 =	sld [smem:$0x3FB0]  }
0x2e: {  	s3 =	simm.s32 @!p0 $0x1082;
	s9 =	sld [smem:$0x3FB1]  }
0x2f: {  	lr =	sadd.s32 s0, s3;
	s0 =	sld [smem:$0x3FA8]  }
0x30: {  	s3 =	sld [smem:$0x3FAB]  }
0x31: {  	[smem:$0x3FB4] =	sst s10  }
0x32: {  	s10 =	sld [smem:$0x3FB2];
	_ =	sdelay $0x3  }
0x33: {  	p0 =	seq.s32 s10, $0x1;
	s10 =	sld [smem:$0x3FB4];
	_ =	sdelay $0x3  }
0x34: {  	[smem:$0x3FB4] =	sst s10  }
0x35: {  	s10 =	sld [smem:$0x3FB3];
	_ =	sdelay $0x3  }
0x36: {  	p1 =	seq.s32 s10, $0x1;
	s10 =	sld [smem:$0x3FB4];
	_ =	sdelay $0x3  }
0x37: {  	[smem:$0x3FB4] =	sst s10  }
0x38: {  	s10 =	sld [smem:$0x3FB5]  }
0x39: {  	_ = 	snop;
	(pc) =	sbr.ind lr, $3  }
0x3a: {  	_ = 	snop  }
0x3b: {  	_ = 	snop  }
0x3c: {  	p2 =	seq.s32 s10, $0x1;
	s10 =	sld [smem:$0x3FB4]  }
0x3d: {  	_ =	shalt  }
0x3e: {  	_ =	shalt  }
0x3f: {  	_ =	shalt  }
0x40: {  	_ =	shalt  }
0x41: {  	_ =	shalt  }
0x42: {  	_ =	shalt  }
0x43: {  	_ =	shalt  }
0x44: {  	_ =	shalt  }
0x45: {  	_ =	shalt  }
0x46: {  	_ =	shalt  }
0x47: {  	_ =	shalt  }
0x48: {  	_ =	shalt  }
0x49: {  	_ =	shalt  }
0x4a: {  	_ =	shalt  }
0x4b: {  	_ =	shalt  }
0x4c: {  	_ =	shalt  }
0x4d: {  	_ =	shalt  }
0x4e: {  	_ =	shalt  }
0x4f: {  	_ =	shalt  }
0x50: {  	_ =	shalt  }
0x51: {  	_ =	shalt  }
0x52: {  	_ =	shalt  }
0x53: {  	_ =	shalt  }
0x54: {  	_ =	shalt  }
0x55: {  	_ =	shalt  }
0x56: {  	_ =	shalt  }
0x57: {  	_ =	shalt  }
0x58: {  	_ =	shalt  }
0x59: {  	_ =	shalt  }
0x5a: {  	_ =	shalt  }
0x5b: {  	_ =	shalt  }
0x5c: {  	_ =	shalt  }
0x5d: {  	_ =	shalt  }
0x5e: {  	_ =	shalt  }
0x5f: {  	_ =	shalt  }
0x60: {  	_ =	shalt  }
0x61: {  	_ =	shalt  }
0x62: {  	_ =	shalt  }
0x63: {  	_ =	shalt  }
0x64: {  	_ =	shalt  }
0x65: {  	_ =	shalt  }
0x66: {  	_ =	shalt  }
0x67: {  	_ =	shalt  }
0x68: {  	_ =	shalt  }
0x69: {  	_ =	shalt  }
0x6a: {  	_ =	shalt  }
0x6b: {  	_ =	shalt  }
0x6c: {  	_ =	shalt  }
0x6d: {  	_ =	shalt  }
0x6e: {  	_ =	shalt  }
0x6f: {  	_ =	shalt  }
0x70: {  	_ =	shalt  }
0x71: {  	_ =	shalt  }
0x72: {  	_ =	shalt  }
0x73: {  	_ =	shalt  }
0x74: {  	_ =	shalt  }
0x75: {  	_ =	shalt  }
0x76: {  	_ =	shalt  }
0x77: {  	_ =	shalt  }
0x78: {  	_ =	shalt  }
0x79: {  	_ =	shalt  }
0x7a: {  	_ =	shalt  }
0x7b: {  	_ =	shalt  }
0x7c: {  	_ =	shalt  }
0x7d: {  	_ =	shalt  }
0x7e: {  	_ =	shalt  }
0x7f: {  	_ =	shalt  }
0x80: {  	_ =	shalt  }
0x81: {  	_ =	shalt  }
0x82: {  	_ =	shalt  }
0x83: {  	_ =	shalt  }
0x84: {  	_ =	shalt  }
0x85: {  	_ =	shalt  }
0x86: {  	_ =	shalt  }
0x87: {  	_ =	shalt  }
.Lfunc_end0:
.L_simem_size_0:
called_computation.1_lowered:
.L_overlay_start_0:
0x88: {  	s2 =	sld [smem:$0x3FD9]  }
0x89: {  	s3 =	sld [smem:$0x3FFE];
	_ =	sdelay $0x1  }
0x8a: {  	s1 =	srdreg.scid  }
0x8b: {  	s0 =	sand.u32 $0x1, s1  }
0x8c: {  	s17 =	sshll.u32 s0, $0xA;
	s2 =	sadd.s32 s3, s2  }
0x8d: {  	s2 =	sadd.s32 s2, s17  }
0x8e: {  	[smem:$0x3FC0] =	sst s2  }
0x8f: {  	_ = 	snop  }
0x90: {  	s2 =	sld [smem:$0x3FC9]  }
0x91: {  	s18 =	sld [smem:$0x3FC8]  }
0x92: {  	s4 =	sld [smem:$0x3FD0];
	(tm) =	ssettm $0x1  }
0x93: {  	s5 =	sld [smem:$0x3FFB];
	_ =	sdelay $0x3  }
0x94: {  	_ =	strace s5  }
0x95: {  	s5 =	sld [smem:$0x3FFC];
	_ =	sdelay $0x3  }
0x96: {  	_ =	strace s5  }
0x97: {  	s5 =	sld [smem:$0x3FFD];
	_ =	sdelay $0x3  }
0x98: {  	_ =	strace s5  }
0x99: {  	_ =	strace $0x8FFFFFFF  }
0x9a: {  	s19 =	sld [smem:$0x3FDB];
	_ =	sdelay $0x1  }
0x9b: {  	s6 =	simm.s32 $_scs_section_size  }
0x9c: {  	s7 =	simm.s32 $_size__tile_overlayer_lowered;
	s8 =	simm.s32 $_tile_overlayer_lowered  }
0x9d: {  	s22 =	simm.s32 $0x1BFF;
	s21 =	sshll.u32 s8, $0x1;
	s5 =	sadd.s32 s6, s19  }
0x9e: {  	s9 =	simm.s32 $0x0;
	s20 =	sshll.u32 s7, $0x1;
	s7 =	sadd.s32 s21, s5  }
0x9f: {  	[timem:s9], [sflag:s22] =	dma.local [hbm:s7], s20  }
0xa0: {  	_ =	swait.ge [sflag:s22], s20  }
0xa1: {  	s6 =	ssub.s32 $0x0, s20;
	[sflag:s22] =	ssyncset.done $0x0  }
0xa2: {  	[sflag:s22] =	ssyncadd.s32 s6;
	_ =	sdelay $0x1  }
0xa3: {  	s23 =	simm.s32 $0x1B8B  }
0xa4: {  	_ =	swait.ge [sflag:s23], $0x1  }
0xa5: {  	[sflag:s23] =	ssyncset.done $0x0  }
0xa6: {  	s25 =	simm.s32 $0x1B8E;
	s24 =	sld [smem:$0x3FFE];
	[sflag:s23] =	ssyncadd.s32 $0xFFFFFFFF  }
0xa7: {  	s26 =	simm.s32 $execute0_lowered;
	[smem:$0x3FD2] =	sst s25  }
0xa8: {  	s7 =	sshll.u32 s26, $0x1;
	_ =	strace $0x80000049;
	[dreg:$0x1] =	wrdreg $0xFFFFFFFF  }
0xa9: {  	s28 =	simm.s32 $_size_execute0_lowered;
	s5 =	sadd.s32 s5, s7;
	[dreg:$0x0] =	wrdreg $0x0  }
0xaa: {  	s7 =	sshll.u32 s28, $0x1;
	[dreg:$0x2] =	wrdreg s5  }
0xab: {  	[dreg:$0x3] =	wrdreg s7  }
0xac: {  	[dreg:$0x4] =	wrdreg $0xC0  }
0xad: {  	_ =	task [dreg:s9], $0x5FFFF  }
0xae: {  	[dreg:$0x1] =	wrdreg $0xFFFFFFFF  }
0xaf: {  	[dreg:$0x0] =	wrdreg $0x60  }
0xb0: {  	[dreg:$0x2] =	wrdreg s24  }
0xb1: {  	[dreg:$0x3] =	wrdreg s2  }
0xb2: {  	[dreg:$0x4] =	wrdreg s18  }
0xb3: {  	[dreg:$0x5] =	wrdreg s4  }
0xb4: {  	[dreg:$0x6] =	wrdreg $0x9  }
0xb5: {  	_ =	task.clear_ibuf [dreg:s9], $0x7FFFF;
	_ =	strace $0x90000049  }
0xb6: {  	s29 =	simm.s32 $0x9;
	_ =	strace $0x8000004B  }
0xb7: {  	_ =	swait.ge [sflag:s29], $0x1  }
0xb8: {  	[sflag:s29] =	ssyncadd.s32 $0xFFFFFFFF  }
0xb9: {  	_ =	strace $0x9000004B  }
0xba: {  	_ =	sfence  }
0xbb: {  	s30 =	sld [smem:$0x0];
	_ =	sdelay $0x2  }
0xbc: {  	s31 =	sshll.u32 s1, $0xD;
	s1 =	sshrl.u32 s1, $0x2  }
0xbd: {  	s3 =	sand.u32 $0x4000, s31;
	s1 =	sadd.s32 s1, s30  }
0xbe: {  	s0 =	sor.u32 s3, s0;
	s1 =	sshll.u32 s1, $0x11  }
0xbf: {  	s0 =	sor.u32 s1, s0  }
0xc0: {  	s0 =	sadd.s32 $0x8F2B, s0  }
0xc1: {  	[sflag:s0] =	ssyncadd.remote.s32 $0x1  }
0xc2: {  	_ =	sfence.sel $0xFFFF  }
0xc3: {  	[dreg:$0x0] =	wrdreg $0xFFFFFFFF;
	(pc) =	sbr.abs _section_cstart, $3  }
0xc4: {  	[dreg:$0x1] =	wrdreg $0xFFFFFFFF  }
0xc5: {  	_ =	task.clear_ibuf [dreg:s9], $0x2FFFF;
	_ =	strace $0x9FFFFFFF  }
0xc6: {  	(tm) =	ssettm $0x7FFFFFFF  }
0xc7: {  	_ =	shalt  }
tec
execute0_lowered:
.L_overlay_start_1:
0x0: {  	(tag) =	ssettag $0x1  }
0x1: {  	s0 =	rddreg [dreg:$0x0]  }
0x2: {  	s2 =	rddreg [dreg:$0x1]  }
0x3: {  	s5 =	rddreg [dreg:$0x2]  }
0x4: {  	s15 =	rddreg [dreg:$0x3];
	s1 =	simm.s32 $0x0;
	s6 =	srdreg.scid  }
0x5: {  	s8 =	stileid.u32;
	s17 =	simm.s32 $0x2;
	s18 =	simm.s32 $0x80  }
0x6: {  	s20 =	simm.s32 $0x200;
	s23 =	simm.s32 $0x280;
	s25 =	simm.s32 $0x100  }
0x7: {  	s28 =	simm.s32 $0x300;
	s30 =	simm.s32 $0x180;
	s22 =	simm.s32 $0x1  }
0x8: {  	s26 =	simm.s32 $0x0;
	[smem:$0x7FF] =	sst s1;
	s3 =	sadd.s32 $0xA400, s0  }
0x9: {  	s4 =	sadd.s32 $0x7200, s0;
	s6 =	sand.u32 $0x1, s6;
	s8 =	sshll.u32 s8, $0x7  }
0xa: {  	s9 =	sadd.s32 $0x1000, s0;
	s0 =	sadd.s32 $0x1200, s0;
	_ =	strace $0x8000004A  }
0xb: {  	s7 =	ssub.s32 $0x2, s6;
	s6 =	sshll.u32 s6, $0x6;
	[dreg:$0x5] =	wrdreg s9  }
0xc: {  	[dreg:$0x6] =	wrdreg s0;
	s29 =	sshrl.u32 s7, $0x1;
	s16 =	sor.u32 s6, s8  }
0xd: {  	s0 =	simm.s32 $0x380;
	s31 =	ssub.s32 s7, s29;
	s10 =	sor.u32 $0x10, s16  }
0xe: {  	s7 =	sadd.s32 s2, s16;
	s8 =	sadd.s32 s5, s16;
	s12 =	sor.u32 $0x20, s16  }
0xf: {  	s14 =	sor.u32 $0x30, s16;
	s15 =	sadd.s32 s15, s16;
	s9 =	sadd.s32 s2, s10  }
0x10: {  	s10 =	sadd.s32 s5, s10;
	s11 =	sadd.s32 s2, s12;
	s12 =	sadd.s32 s5, s12  }
0x11: {  	s13 =	sadd.s32 s2, s14;
	s14 =	sadd.s32 s5, s14;
	s16 =	smax.u32 s31, $0x1  }
.LBB2_1:
0x12: {  	[tilespmem:s1], [sflag:$0x2] =	stream.linear.gather [hbm4b:s7+s1], $0x80, $0x38;
	[tilespmem:$0xA90] =	vst v63  }
0x13: {  	_ =	swait.ge [sflag:s17], $0x80  }
0x14: {  	[sflag:s17] =	ssyncset.done $0x0  }
0x15: {  	s2 =	simm.s32 $0x400;
	[sflag:s17] =	ssyncadd.s32 $0xFFFFFF80  }
0x16: {  	[tilespmem:s2], [sflag:$0x1] =	stream.indirect.gather [hbm4b:s3+s18], $0x1, s1, s18, $0xb8;
	[tilespmem:$0xA90] =	vst v63  }
0x17: {  	_ = 	snop  }
0x18: {  	[tilespmem:s20], [sflag:$0x2] =	stream.linear.gather [hbm4b:s8+s1], $0x80, $0x38;
	[tilespmem:$0xA90] =	vst v63  }
0x19: {  	_ =	swait.ge [sflag:s17], $0x80  }
0x1a: {  	[sflag:s17] =	ssyncset.done $0x0  }
0x1b: {  	s5 =	simm.s32 $0x600;
	[sflag:s17] =	ssyncadd.s32 $0xFFFFFF80  }
0x1c: {  	[tilespmem:s5], [sflag:$0x1] =	stream.indirect.gather [hbm4b:s4+s18], $0x1, s20, s18, $0xb8;
	[tilespmem:$0xA90] =	vst v63  }
0x1d: {  	_ = 	snop  }
0x1e: {  	[tilespmem:s18], [sflag:$0x2] =	stream.linear.gather [hbm4b:s9+s1], $0x80, $0x38;
	[tilespmem:$0xA90] =	vst v63  }
0x1f: {  	_ =	swait.ge [sflag:s17], $0x80  }
0x20: {  	[sflag:s17] =	ssyncset.done $0x0  }
0x21: {  	s6 =	simm.s32 $0x480;
	[sflag:s17] =	ssyncadd.s32 $0xFFFFFF80  }
0x22: {  	[tilespmem:s6], [sflag:$0x1] =	stream.indirect.gather [hbm4b:s3+s18], $0x1, s18, s18, $0xb8;
	[tilespmem:$0xA90] =	vst v63  }
0x23: {  	_ = 	snop  }
0x24: {  	[tilespmem:s23], [sflag:$0x2] =	stream.linear.gather [hbm4b:s10+s1], $0x80, $0x38;
	[tilespmem:$0xA90] =	vst v63  }
0x25: {  	_ =	swait.ge [sflag:s17], $0x80  }
0x26: {  	[sflag:s17] =	ssyncset.done $0x0  }
0x27: {  	s19 =	simm.s32 $0x680;
	[sflag:s17] =	ssyncadd.s32 $0xFFFFFF80  }
0x28: {  	[tilespmem:s19], [sflag:$0x1] =	stream.indirect.gather [hbm4b:s4+s18], $0x1, s23, s18, $0xb8;
	[tilespmem:$0xA90] =	vst v63  }
0x29: {  	_ = 	snop  }
0x2a: {  	[tilespmem:s25], [sflag:$0x2] =	stream.linear.gather [hbm4b:s11+s1], $0x80, $0x38;
	[tilespmem:$0xA90] =	vst v63  }
0x2b: {  	_ =	swait.ge [sflag:s17], $0x80  }
0x2c: {  	[sflag:s17] =	ssyncset.done $0x0  }
0x2d: {  	s21 =	simm.s32 $0x500;
	[sflag:s17] =	ssyncadd.s32 $0xFFFFFF80  }
0x2e: {  	[tilespmem:s21], [sflag:$0x1] =	stream.indirect.gather [hbm4b:s3+s18], $0x1, s25, s18, $0xb8;
	[tilespmem:$0xA90] =	vst v63  }
0x2f: {  	_ = 	snop  }
0x30: {  	[tilespmem:s28], [sflag:$0x2] =	stream.linear.gather [hbm4b:s12+s1], $0x80, $0x38;
	[tilespmem:$0xA90] =	vst v63  }
0x31: {  	_ =	swait.ge [sflag:s17], $0x80  }
0x32: {  	[sflag:s17] =	ssyncset.done $0x0  }
0x33: {  	s24 =	simm.s32 $0x700;
	[sflag:s17] =	ssyncadd.s32 $0xFFFFFF80  }
0x34: {  	[tilespmem:s24], [sflag:$0x1] =	stream.indirect.gather [hbm4b:s4+s18], $0x1, s28, s18, $0xb8;
	[tilespmem:$0xA90] =	vst v63  }
0x35: {  	_ = 	snop  }
0x36: {  	[tilespmem:s30], [sflag:$0x2] =	stream.linear.gather [hbm4b:s13+s1], $0x80, $0x38;
	[tilespmem:$0xA90] =	vst v63  }
0x37: {  	_ =	swait.ge [sflag:s17], $0x80  }
0x38: {  	[sflag:s17] =	ssyncset.done $0x0  }
0x39: {  	s5 =	simm.s32 $0x580;
	[sflag:s17] =	ssyncadd.s32 $0xFFFFFF80  }
0x3a: {  	[tilespmem:s5], [sflag:$0x1] =	stream.indirect.gather [hbm4b:s3+s18], $0x1, s30, s18, $0xb8;
	[tilespmem:$0xA90] =	vst v63  }
0x3b: {  	_ = 	snop  }
0x3c: {  	[tilespmem:s0], [sflag:$0x2] =	stream.linear.gather [hbm4b:s14+s1], $0x80, $0x38;
	[tilespmem:$0xA90] =	vst v63  }
0x3d: {  	_ =	swait.ge [sflag:s17], $0x80  }
0x3e: {  	[sflag:s17] =	ssyncset.done $0x0  }
0x3f: {  	s6 =	simm.s32 $0x780;
	[sflag:s17] =	ssyncadd.s32 $0xFFFFFF80  }
0x40: {  	[tilespmem:s6], [sflag:$0x1] =	stream.indirect.gather [hbm4b:s4+s18], $0x1, s0, s18, $0xb8;
	[tilespmem:$0xA90] =	vst v63  }
0x41: {  	s5 =	simm.s32 $0x800;
	s19 =	rddreg [dreg:$0x5]  }
0x42: {  	[tilespmem:s5], [sflag:$0x2] =	stream.linear.gather [hbm4b:s19+s1], $0x80, $0x38;
	[tilespmem:$0xA90] =	vst v63  }
0x43: {  	_ =	swait.ge [sflag:s17], $0x80  }
0x44: {  	[sflag:s17] =	ssyncset.done $0x0  }
0x45: {  	s24 =	simm.s32 $0x880;
	s21 =	rddreg [dreg:$0x6];
	[sflag:s17] =	ssyncadd.s32 $0xFFFFFF80  }
0x46: {  	[tilespmem:s24], [sflag:$0x2] =	stream.linear.gather [hbm4b:s21+s1], $0x10, $0x38;
	[tilespmem:$0xA90] =	vst v63  }
0x47: {  	_ =	swait.ge [sflag:s17], $0x10  }
0x48: {  	[sflag:s17] =	ssyncset.done $0x0  }
0x49: {  	[sflag:s17] =	ssyncadd.s32 $0xFFFFFFF0  }
0x4a: {  	_ =	swait.ge [sflag:s22], $0x80  }
0x4b: {  	[sflag:s22] =	ssyncset.done $0x0  }
0x4c: {  	[sflag:s22] =	ssyncadd.s32 $0xFFFFFF80  }
0x4d: {  	_ =	swait.ge [sflag:s22], $0x80  }
0x4e: {  	[sflag:s22] =	ssyncset.done $0x0  }
0x4f: {  	[sflag:s22] =	ssyncadd.s32 $0xFFFFFF80  }
0x50: {  	_ =	swait.ge [sflag:s22], $0x80  }
0x51: {  	[sflag:s22] =	ssyncset.done $0x0  }
0x52: {  	[sflag:s22] =	ssyncadd.s32 $0xFFFFFF80  }
0x53: {  	_ =	swait.ge [sflag:s22], $0x80  }
0x54: {  	[sflag:s22] =	ssyncset.done $0x0  }
0x55: {  	[sflag:s22] =	ssyncadd.s32 $0xFFFFFF80  }
0x56: {  	_ =	swait.ge [sflag:s22], $0x80  }
0x57: {  	[sflag:s22] =	ssyncset.done $0x0  }
0x58: {  	[sflag:s22] =	ssyncadd.s32 $0xFFFFFF80  }
0x59: {  	_ =	swait.ge [sflag:s22], $0x80  }
0x5a: {  	[sflag:s22] =	ssyncset.done $0x0  }
0x5b: {  	[sflag:s22] =	ssyncadd.s32 $0xFFFFFF80  }
0x5c: {  	_ =	swait.ge [sflag:s22], $0x80  }
0x5d: {  	[sflag:s22] =	ssyncset.done $0x0  }
0x5e: {  	[sflag:s22] =	ssyncadd.s32 $0xFFFFFF80  }
0x5f: {  	_ =	swait.ge [sflag:s22], $0x80  }
0x60: {  	[sflag:s22] =	ssyncset.done $0x0  }
0x61: {  	[sflag:s22] =	ssyncadd.s32 $0xFFFFFF80  }
0x62: {  	s29 =	simm.s32 $0x0;
	v0 =	vld [tilespmem:$0x810]  }
0x63: {  	v2 =	vld [tilespmem:s29+$0x600]  }
0x64: {  	s31 =	simm.s32 $0x10;
	v3 =	vld [tilespmem:s29+$0x400]  }
0x65: {  	v4 =	vld [tilespmem:s31+$0x600]  }
0x66: {  	v1 =	vld [tilespmem:$0x880]  }
0x67: {  	v5 =	vld [tilespmem:s31+$0x400]  }
0x68: {  	v2 =	vmul.f32 v2, v0;
	_ =	sdelay $0x1  }
0x69: {  	v2 =	vadd.f32 v2, v3;
	v3 =	vmul.f32 v4, v0  }
0x6a: {  	s2 =	simm.s32 $0x20  }
0x6b: {  	v4 =	vld [tilespmem:s2+$0x600];
	v2 =	vadd.f32 v2, v1;
	v3 =	vadd.f32 v3, v5;
	_ =	sdelay $0x1  }
0x6c: {  	v2 =	vsub.f32 $0.0e+00, v2;
	v3 =	vadd.f32 v3, v1  }
0x6d: {  	v5 =	vld [tilespmem:s2+$0x400]  }
0x6e: {  	s19 =	simm.s32 $0x30;
	v2 =	vmul.f32 $1.442695020e+00, v2;
	v3 =	vsub.f32 $0.0e+00, v3  }
0x6f: {  	v6 =	vld [tilespmem:s19+$0x600];
	v4 =	vmul.f32 v4, v0  }
0x70: {  	(erf) = vpow2.f32 v2;
	v2 =	vmul.f32 $1.442695020e+00, v3  }
0x71: {  	v3 =	vld [tilespmem:s19+$0x400]  }
0x72: {  	(erf) = vpow2.f32 v2;
	v2 =	vadd.f32 v4, v5;
	_ =	sdelay $0x1  }
0x73: {  	v4 =	vmul.f32 v6, v0;
	v2 =	vadd.f32 v2, v1  }
0x74: {  	s21 =	simm.s32 $0x40  }
0x75: {  	v5 =	vld [tilespmem:s21+$0x600];
	v3 =	vadd.f32 v4, v3;
	v2 =	vsub.f32 $0.0e+00, v2;
	_ =	sdelay $0x1  }
0x76: {  	v4 =	vld [tilespmem:s21+$0x400];
	v3 =	vadd.f32 v3, v1;
	v2 =	vmul.f32 $1.442695020e+00, v2  }
0x77: {  	v6 =	vpop (erf)  }
0x78: {  	v3 =	vsub.f32 $0.0e+00, v3;
	v6 =	vadd.f32 $1.000000000e+00, v6  }
0x79: {  	v5 =	vmul.f32 v5, v0;
	(erf) = vpow2.f32 v2  }
0x7a: {  	v3 =	vmul.f32 $1.442695020e+00, v3;
	v2 =	vpop (erf);
	(erf) = vrcp.f32 v6  }
0x7b: {  	s24 =	simm.s32 $0x50;
	v4 =	vadd.f32 v5, v4;
	v5 =	vadd.f32 $1.000000000e+00, v2  }
0x7c: {  	v2 =	vld [tilespmem:s24+$0x600];
	(erf) = vpow2.f32 v3  }
0x7d: {  	(erf) = vrcp.f32 v5  }
0x7e: {  	v3 =	vld [tilespmem:s24+$0x400]  }
0x7f: {  	v4 =	vadd.f32 v4, v1  }
0x80: {  	s5 =	simm.s32 $0x180  }
.LBB2_2:
0x81: {  	s6 =	sshra.s32 s5, $0x2;
	v5 =	vmul.f32 v2, v0;
	v8 =	vsub.f32 $0.0e+00, v4;
	p0 =	sne.s32 s5, $0x7C0  }
.Ltmp0:
0x82: {  	s5 =	sadd.s32 $0x40, s5;
	v2 =	vld [tilespmem:s6+$0x600];
	v6 =	vpop (erf);
	(pc) =	sbr.rel @p0 .LBB2_2-.Ltmp0, $4  }
0x83: {  	v5 =	vadd.f32 v5, v3;
	v7 =	vmul.f32 $1.442695020e+00, v8;
	v4 =	vpop (erf)  }
0x84: {  	v6 =	vadd.f32 $1.000000000e+00, v6;
	v3 =	vld [tilespmem:s6+$0x400];
	[tilespmem:s29+$0x890] =	vst v4;
	s29 =	smov.u32 s31;
	s31 =	smov.u32 s2;
	s2 =	smov.u32 s19  }
0x85: {  	s19 =	smov.u32 s21;
	s21 =	smov.u32 s24;
	s24 =	smov.u32 s6;
	v4 =	vadd.f32 v5, v1;
	(erf) = vpow2.f32 v7  }
0x86: {  	(erf) = vrcp.f32 v6  }
0x87: {  	v0 =	vmul.f32 v2, v0;
	_ =	sdelay $0x1  }
0x88: {  	v0 =	vadd.f32 v0, v3;
	_ =	sdelay $0x1  }
0x89: {  	v53 =	vsub.f32 $0.0e+00, v4;
	v0 =	vadd.f32 v0, v1;
	_ =	sdelay $0x1  }
0x8a: {  	v54 =	vpop (erf);
	v2 =	vmul.f32 $1.442695020e+00, v53;
	v0 =	vsub.f32 $0.0e+00, v0  }
0x8b: {  	v1 =	vadd.f32 $1.000000000e+00, v54  }
0x8c: {  	(erf) = vpow2.f32 v2;
	v0 =	vmul.f32 $1.442695020e+00, v0  }
0x8d: {  	(erf) = vrcp.f32 v1  }
0x8e: {  	(erf) = vpow2.f32 v0;
	_ =	sdelay $0x3  }
0x8f: {  	v55 =	vpop (erf)  }
0x90: {  	v56 =	vpop (erf)  }
0x91: {  	v57 =	vpop (erf)  }
0x92: {  	v58 =	vpop (erf)  }
0x93: {  	v1 =	vadd.f32 $1.000000000e+00, v56;
	v59 =	vpop (erf)  }
0x94: {  	v3 =	vadd.f32 $1.000000000e+00, v58;
	v5 =	vpop (erf)  }
0x95: {  	(erf) = vrcp.f32 v1;
	v60 =	vadd.f32 $1.000000000e+00, v5  }
0x96: {  	(erf) = vrcp.f32 v3  }
0x97: {  	(erf) = vrcp.f32 v60;
	_ =	sdelay $0x4  }
0x98: {  	[tilespmem:s29+$0x890] =	vst v55  }
0x99: {  	[tilespmem:s31+$0x890] =	vst v57  }
0x9a: {  	[tilespmem:s2+$0x890] =	vst v59;
	v61 =	vpop (erf)  }
0x9b: {  	s26 =	sadd.s32 $0x1, s26;
	[tilespmem:s19+$0x890] =	vst v61;
	v62 =	vpop (erf)  }
0x9c: {  	p0 =	sne.s32 s26, s16;
	[tilespmem:s21+$0x890] =	vst v62;
	v63 =	vpop (erf)  }
.Ltmp1:
0x9d: {  	s31 =	simm.s32 $0x890;
	[tilespmem:s24+$0x890] =	vst v63;
	(pc) =	sbr.rel @p0 .LBB2_1-.Ltmp1, $4  }
0x9e: {  	[hbm4b:s15+s1] =	stream.linear.scatter [tilespmem:s31], [sflag:$0x2], $0x200, $0x38;
	[tilespmem:$0xA90] =	vst v63  }
0x9f: {  	_ =	swait.ge [sflag:s17], $0x200  }
0xa0: {  	[sflag:s17] =	ssyncset.done $0x0  }
0xa1: {  	[sflag:s17] =	ssyncadd.s32 $0xFFFFFE00  }
0xa2: {  	_ =	sfence.sel $0x180000  }
0xa3: {  	[bflag:$0x0] =	sbarrier.arrive $0xFFFF  }
0xa4: {  	_ =	strace $0x9000004A  }
0xa5: {  	s0 =	stileid.u32;
	[bflag:$0x2] =	sbarrier.arrive $0xFFFF  }
0xa6: {  	p0 =	sne.s32 s0, $0x0;
	s0 =	rddreg [dreg:$0x4]  }
0xa7: {  	s0 =	sadd.s32 @!p0 $0x100000, s0  }
0xa8: {  	[sflag:s0] =	ssyncadd.tile.s32 @!p0 $0x1;
	_ =	shalt  }
.Lfunc_end2:
_tile_overlayer_lowered:
.L_overlay_start_2:
0xa9: {  	(tag) =	ssettag $0x2  }
0xaa: {  	s0 =	rddreg [dreg:$0x0];
	s2 =	stileid.u32  }
0xab: {  	s1 =	rddreg [dreg:$0x1];
	p0 =	sne.s32 s2, $0x0  }
0xac: {  	s3 =	rddreg [dreg:$0x2];
	[bflag:$0x3] =	sbarrier.arrive $0xFFFF;
	s2 =	simm.s32 @!p0 $0x1C02  }
0xad: {  	[timem:s3], [sflag:s2] =	dma.local @!p0 [hbm:s0], s1  }
0xae: {  	s0 =	simm.s32 @!p0 $0x2  }
0xaf: {  	_ =	swait.ge @!p0 [sflag:s0], s1  }
0xb0: {  	s1 =	ssub.s32 @!p0 $0x0, s1;
	[sflag:s0] =	ssyncset.done @!p0 $0x0  }
0xb1: {  	[sflag:s0] =	ssyncadd.s32 @!p0 s1  }
0xb2: {  	[bflag:$0x3] =	sbarrier.arrive $0xFFFF  }
0xb3: {  	_ =	shalt  }

</sc_bundles>
